<compile_context>
chip_gen: v7x
topology: tpu7x:2x2x1
jax: 0.10.2.dev20260603
libtpu: 0.0.44.dev20260713+nightly
codegen_flags: <defaults>
</compile_context>

<pallas_src>
import functools

import jax
import jax.numpy as jnp
from jax import lax
from jax.experimental import pallas as pl
from jax.experimental.pallas import tpu as pltpu
from jax.experimental.pallas import tpu_sc as plsc

_HI = jax.lax.Precision.HIGHEST
_LP = 128
_CH = 128


def _e2_body(emb_ref, o_ref):
    E = emb_ref[...]
    ones = jnp.ones((8, E.shape[1]), jnp.float32)
    o_ref[...] = jax.lax.dot_general(
        ones, E * E, (((1,), (1,)), ((), ())),
        precision=_HI, preferred_element_type=jnp.float32)


def _enc_body(x_ref, w_in_ref, b_in_ref, emb_ref, e2_ref, ind_ref):
    X = x_ref[0]
    Wi = w_in_ref[...]
    E = emb_ref[...]

    Z = jax.lax.dot_general(X, Wi, (((0,), (0,)), ((), ())),
                            preferred_element_type=jnp.float32)
    Z = Z + b_in_ref[...]

    x2 = jnp.sum(Z * Z, axis=1, keepdims=True)
    S = jax.lax.dot_general(Z, E, (((1,), (1,)), ((), ())),
                            preferred_element_type=jnp.float32)
    dist = -(x2 - 2.0 * S + e2_ref[...])
    ind_ref[0, 0] = jnp.argmax(dist, axis=1)


def _dec_body(q_ref, w_out_ref, b_out_ref, o_ref):
    Qb = q_ref[0][:, :w_out_ref.shape[0]]
    Wo = w_out_ref[...]
    Y = jax.lax.dot_general(Wo, Qb, (((0,), (1,)), ((), ())),
                            preferred_element_type=jnp.float32)
    o_ref[0] = Y + b_out_ref[...]


def _make_sc_gather(BT):
    info = plsc.get_sparse_core_info()
    NW = info.num_cores * info.num_subcores
    bpw = BT // NW
    n_ch = bpw // _CH
    mesh = plsc.VectorSubcoreMesh(core_axis_name="c", subcore_axis_name="s")

    @functools.partial(
        pl.kernel, mesh=mesh,
        out_type=jax.ShapeDtypeStruct((BT, _LP), jnp.float32),
        scratch_types=[
            pltpu.VMEM((n_ch, _CH), jnp.int32),
            pltpu.VMEM((_CH, _LP), jnp.float32),
            pltpu.VMEM((_CH, _LP), jnp.float32),
            pltpu.SemaphoreType.DMA,
            pltpu.SemaphoreType.DMA,
        ],
    )
    def gather_k(ind_hbm, emb_hbm, out_hbm, idx_v, buf0, buf1, sem0, sem1):
        wid = lax.axis_index("s") * info.num_cores + lax.axis_index("c")
        base = wid * bpw
        pltpu.sync_copy(ind_hbm.at[wid], idx_v)
        bufs = (buf0, buf1)
        sems = (sem0, sem1)
        copies = [None, None]
        for j in range(n_ch):
            p = j % 2
            if copies[p] is not None:
                copies[p].wait()
                pltpu.sync_copy(bufs[p],
                                out_hbm.at[pl.ds(base + (j - 2) * _CH, _CH)])
            copies[p] = pltpu.async_copy(emb_hbm.at[idx_v.at[j]],
                                         bufs[p], sems[p])
        for j in (n_ch - 2, n_ch - 1):
            p = j % 2
            copies[p].wait()
            pltpu.sync_copy(bufs[p], out_hbm.at[pl.ds(base + j * _CH, _CH)])

    return gather_k


def kernel(hidden_states, W_in, b_in, embed, W_out, b_out):
    B, D, T = hidden_states.shape
    K, CD = embed.shape
    Tb = 2048

    b_in2 = b_in.reshape(1, CD)
    b_out2 = b_out.reshape(D, 1)
    emb_pad = jnp.pad(embed, ((0, 0), (0, _LP - CD)))

    e2 = pl.pallas_call(
        _e2_body,
        out_shape=jax.ShapeDtypeStruct((8, K), jnp.float32),
    )(embed)[0:1]

    grid = (B, T // Tb)
    ind = pl.pallas_call(
        _enc_body,
        grid=grid,
        in_specs=[
            pl.BlockSpec((1, D, Tb), lambda b, t: (b, 0, t)),
            pl.BlockSpec((D, CD), lambda b, t: (0, 0)),
            pl.BlockSpec((1, CD), lambda b, t: (0, 0)),
            pl.BlockSpec((K, CD), lambda b, t: (0, 0)),
            pl.BlockSpec((1, K), lambda b, t: (0, 0)),
        ],
        out_specs=pl.BlockSpec((1, 1, Tb), lambda b, t: (b, 0, t)),
        out_shape=jax.ShapeDtypeStruct((B, 1, T), jnp.int32),
    )(hidden_states, W_in, b_in2, embed, e2)

    BT = B * T
    info = plsc.get_sparse_core_info()
    NW = info.num_cores * info.num_subcores
    ind_w = ind.reshape(NW, (BT // NW) // _CH, _CH)
    Q = _make_sc_gather(BT)(ind_w, emb_pad)
    Qb = Q.reshape(B, T, _LP)

    out = pl.pallas_call(
        _dec_body,
        grid=grid,
        in_specs=[
            pl.BlockSpec((1, Tb, _LP), lambda b, t: (b, t, 0)),
            pl.BlockSpec((CD, D), lambda b, t: (0, 0)),
            pl.BlockSpec((D, 1), lambda b, t: (0, 0)),
        ],
        out_specs=pl.BlockSpec((1, D, Tb), lambda b, t: (b, 0, t)),
        out_shape=jax.ShapeDtypeStruct((B, D, T), jnp.float32),
    )(Qb, W_out, b_out2)
    return out

# --- scband reference (transcript-rebuilt; emitter-appended) ---
"""Pipeline reference for scband-higgs-audio-v2-tokenizer-vector-quantization-21844203668167 (READ-ONLY COPY).

The authoritative reference and input builder live on the scoring server;
editing this copy changes nothing except your own understanding.
"""

import jax, jax.numpy as jnp
import numpy as np

B, D, T = 16, 1024, 2048
K, CD = 1024, 64

def setup_inputs(seed: int = 0) -> dict:
    key = jax.random.key(seed)
    k1, k2, k3, k4, k5, k6 = jax.random.split(key, 6)
    hidden_states = jax.random.normal(k1, (B, D, T), dtype=jnp.float32)
    W_in = jax.random.normal(k2, (D, CD), dtype=jnp.float32) * 0.02
    b_in = jnp.zeros((CD,), dtype=jnp.float32)
    embed = jax.random.normal(k3, (K, CD), dtype=jnp.float32)
    W_out = jax.random.normal(k4, (CD, D), dtype=jnp.float32) * 0.02
    b_out = jnp.zeros((D,), dtype=jnp.float32)
    return {"hidden_states": hidden_states, "W_in": W_in, "b_in": b_in, "embed": embed, "W_out": W_out, "b_out": b_out}

def reference(hidden_states, W_in, b_in, embed, W_out, b_out):
    # encode: permute [B, D, T] -> [B, T, D], project_in to codebook_dim
    h = jnp.transpose(hidden_states, (0, 2, 1))
    h = h @ W_in + b_in  # [B, T, CD]
    flat = h.reshape(-1, CD)
    # Euclidean codebook distances: -(||x||^2 - 2 x e^T + ||e||^2)
    dist = -(
        jnp.sum(flat ** 2, axis=1, keepdims=True)
        - 2.0 * flat @ embed.T
        + jnp.sum(embed ** 2, axis=1)[None, :]
    )
    embed_ind = jnp.argmax(dist, axis=-1)
    embed_ind = embed_ind.reshape(h.shape[0], h.shape[1])  # [B, T]
    # decode: codebook lookup, project_out, permute back
    quantize = jnp.take(embed, embed_ind, axis=0)  # [B, T, CD]
    quantize = quantize @ W_out + b_out  # [B, T, D]
    quantize = jnp.transpose(quantize, (0, 2, 1))  # [B, D, T]
    return quantize

if __name__ == "__main__":
    import jax
    _d = setup_inputs()
    print(jax.jit(kernel)(*tuple(_d.values())))

</pallas_src>

<mosaic_0001>
#map = affine_map<(d0, d1) -> (0, 0, 0)>
#map1 = affine_map<(d0, d1) -> (0, 0)>
module attributes {stable_mosaic.version = 14 : i64} {
  func.func @gather_k(%arg0: i32, %arg1: i32, %arg2: memref<32x8x128xi32, #tpu.memory_space<hbm>>, %arg3: memref<1024x128xf32, #tpu.memory_space<hbm>>, %arg4: memref<32768x128xf32, #tpu.memory_space<hbm>>, %arg5: memref<8x128xi32, #tpu.memory_space<vmem>>, %arg6: memref<128x128xf32, #tpu.memory_space<vmem>>, %arg7: memref<128x128xf32, #tpu.memory_space<vmem>>, %arg8: memref<!tpu.dma_semaphore, #tpu.memory_space<semaphore_mem>>, %arg9: memref<!tpu.dma_semaphore, #tpu.memory_space<semaphore_mem>>) attributes {dimension_semantics = [#tpu.dimension_semantics<core_parallel>, #tpu.dimension_semantics<subcore_parallel>], iteration_bounds = array<i64: 2, 16>, scalar_prefetch = 0 : i64, scratch_operands = 5 : i64, tpu.core_type = #tpu.core_type<sc_vector_subcore>, window_params = [{transform_indices = #map}, {transform_indices = #map1}, {transform_indices = #map1}]} {
    %mul3A = arith.constant 2 : i32
    %mul3A_0 = arith.muli %arg1, %mul3A : i32
    %add3A = arith.addi %mul3A_0, %arg0 : i32
    %mul3A_1 = arith.constant 1024 : i32
    %mul3A_2 = arith.muli %add3A, %mul3A_1 : i32
    "tpu.region"() ({
      %run_scoped3A = tpu.sem_alloc : memref<!tpu.dma_semaphore, #tpu.memory_space<semaphore_mem>>
      %dma_start3A_129 = arith.constant 0 : i32
      %dma_start3A_130 = arith.constant 0 : i32
      %dma_start3A_131 = tpu.memref_slice %arg2[%add3A, %dma_start3A_129, %dma_start3A_130] : memref<32x8x128xi32, #tpu.memory_space<hbm>> -> memref<1x8x128xi32, #tpu.memory_space<hbm>>
      %dma_start3A_132 = tpu.memref_squeeze %dma_start3A_131 : memref<1x8x128xi32, #tpu.memory_space<hbm>> -> memref<8x128xi32, #tpu.memory_space<hbm>>
      %dma_start3A_133 = arith.constant 0 : i32
      %dma_start3A_134 = arith.constant 0 : i32
      %dma_start3A_135 = tpu.memref_slice %arg2[%add3A, %dma_start3A_133, %dma_start3A_134] : memref<32x8x128xi32, #tpu.memory_space<hbm>> -> memref<1x8x128xi32, #tpu.memory_space<hbm>>
      %dma_start3A_136 = tpu.memref_squeeze %dma_start3A_135 : memref<1x8x128xi32, #tpu.memory_space<hbm>> -> memref<8x128xi32, #tpu.memory_space<hbm>>
      tpu.enqueue_dma source(%dma_start3A_136 : memref<8x128xi32, #tpu.memory_space<hbm>>) target(%arg5 : memref<8x128xi32, #tpu.memory_space<vmem>>) target_semaphore(%run_scoped3A : memref<!tpu.dma_semaphore, #tpu.memory_space<semaphore_mem>>)
      %dma_wait3A_137 = arith.constant 0 : i32
      %dma_wait3A_138 = arith.constant 0 : i32
      %dma_wait3A_139 = tpu.memref_slice %arg2[%add3A, %dma_wait3A_137, %dma_wait3A_138] : memref<32x8x128xi32, #tpu.memory_space<hbm>> -> memref<1x8x128xi32, #tpu.memory_space<hbm>>
      %dma_wait3A_140 = tpu.memref_squeeze %dma_wait3A_139 : memref<1x8x128xi32, #tpu.memory_space<hbm>> -> memref<8x128xi32, #tpu.memory_space<hbm>>
      %dma_wait3A_141 = arith.constant 0 : i32
      %dma_wait3A_142 = arith.constant 0 : i32
      %dma_wait3A_143 = tpu.memref_slice %arg2[%add3A, %dma_wait3A_141, %dma_wait3A_142] : memref<32x8x128xi32, #tpu.memory_space<hbm>> -> memref<1x8x128xi32, #tpu.memory_space<hbm>>
      %dma_wait3A_144 = tpu.memref_squeeze %dma_wait3A_143 : memref<1x8x128xi32, #tpu.memory_space<hbm>> -> memref<8x128xi32, #tpu.memory_space<hbm>>
      tpu.wait_dma2 semaphore(%run_scoped3A : memref<!tpu.dma_semaphore, #tpu.memory_space<semaphore_mem>>) src(%dma_wait3A_144 : memref<8x128xi32, #tpu.memory_space<hbm>>) dst(%arg5 : memref<8x128xi32, #tpu.memory_space<vmem>>)
      tpu.yield
    }) : () -> ()
    %dma_start3A = arith.constant 0 : i32
    %dma_start3A_3 = arith.constant 0 : i32
    %dma_start3A_4 = tpu.memref_slice %arg5[%dma_start3A, %dma_start3A_3] : memref<8x128xi32, #tpu.memory_space<vmem>> -> memref<1x128xi32, #tpu.memory_space<vmem>>
    %dma_start3A_5 = tpu.memref_squeeze %dma_start3A_4 : memref<1x128xi32, #tpu.memory_space<vmem>> -> memref<128xi32, #tpu.memory_space<vmem>>
    %dma_start3A_6 = arith.constant 0 : i32
    %dma_start3A_7 = arith.constant 0 : i32
    %dma_start3A_8 = tpu.memref_slice %arg3[%dma_start3A_6, %dma_start3A_7] : memref<1024x128xf32, #tpu.memory_space<hbm>> -> memref<1024x128xf32, #tpu.memory_space<hbm>>
    tpu.enqueue_indirect_dma source(%dma_start3A_8 : memref<1024x128xf32, #tpu.memory_space<hbm>>) target(%arg6 : memref<128x128xf32, #tpu.memory_space<vmem>>) offsets(%dma_start3A_5 : memref<128xi32, #tpu.memory_space<vmem>>) semaphore(%arg8 : memref<!tpu.dma_semaphore, #tpu.memory_space<semaphore_mem>>)
    %dma_start3A_9 = arith.constant 1 : i32
    %dma_start3A_10 = arith.constant 0 : i32
    %dma_start3A_11 = tpu.memref_slice %arg5[%dma_start3A_9, %dma_start3A_10] : memref<8x128xi32, #tpu.memory_space<vmem>> -> memref<1x128xi32, #tpu.memory_space<vmem>>
    %dma_start3A_12 = tpu.memref_squeeze %dma_start3A_11 : memref<1x128xi32, #tpu.memory_space<vmem>> -> memref<128xi32, #tpu.memory_space<vmem>>
    %dma_start3A_13 = arith.constant 0 : i32
    %dma_start3A_14 = arith.constant 0 : i32
    %dma_start3A_15 = tpu.memref_slice %arg3[%dma_start3A_13, %dma_start3A_14] : memref<1024x128xf32, #tpu.memory_space<hbm>> -> memref<1024x128xf32, #tpu.memory_space<hbm>>
    tpu.enqueue_indirect_dma source(%dma_start3A_15 : memref<1024x128xf32, #tpu.memory_space<hbm>>) target(%arg7 : memref<128x128xf32, #tpu.memory_space<vmem>>) offsets(%dma_start3A_12 : memref<128xi32, #tpu.memory_space<vmem>>) semaphore(%arg9 : memref<!tpu.dma_semaphore, #tpu.memory_space<semaphore_mem>>)
    %dma_wait3A = arith.constant 0 : i32
    %dma_wait3A_16 = arith.constant 0 : i32
    %dma_wait3A_17 = tpu.memref_slice %arg5[%dma_wait3A, %dma_wait3A_16] : memref<8x128xi32, #tpu.memory_space<vmem>> -> memref<1x128xi32, #tpu.memory_space<vmem>>
    %dma_wait3A_18 = tpu.memref_squeeze %dma_wait3A_17 : memref<1x128xi32, #tpu.memory_space<vmem>> -> memref<128xi32, #tpu.memory_space<vmem>>
    %dma_wait3A_19 = arith.constant 0 : i32
    %dma_wait3A_20 = arith.constant 0 : i32
    %dma_wait3A_21 = tpu.memref_slice %arg3[%dma_wait3A_19, %dma_wait3A_20] : memref<1024x128xf32, #tpu.memory_space<hbm>> -> memref<1024x128xf32, #tpu.memory_space<hbm>>
    tpu.wait_indirect_dma semaphore(%arg8 : memref<!tpu.dma_semaphore, #tpu.memory_space<semaphore_mem>>) src(%dma_wait3A_21 : memref<1024x128xf32, #tpu.memory_space<hbm>>) dst(%arg6 : memref<128x128xf32, #tpu.memory_space<vmem>>)
    %add3A_22 = arith.constant 0 : i32
    %add3A_23 = arith.addi %mul3A_2, %add3A_22 : i32
    "tpu.region"() ({
      %run_scoped3A = tpu.sem_alloc : memref<!tpu.dma_semaphore, #tpu.memory_space<semaphore_mem>>
      %dma_start3A_129 = arith.constant 0 : i32
      %dma_start3A_130 = tpu.memref_slice %arg4[%add3A_23, %dma_start3A_129] : memref<32768x128xf32, #tpu.memory_space<hbm>> -> memref<128x128xf32, #tpu.memory_space<hbm>>
      %dma_start3A_131 = arith.constant 0 : i32
      %dma_start3A_132 = tpu.memref_slice %arg4[%add3A_23, %dma_start3A_131] : memref<32768x128xf32, #tpu.memory_space<hbm>> -> memref<128x128xf32, #tpu.memory_space<hbm>>
      tpu.enqueue_dma source(%arg6 : memref<128x128xf32, #tpu.memory_space<vmem>>) target(%dma_start3A_132 : memref<128x128xf32, #tpu.memory_space<hbm>>) target_semaphore(%run_scoped3A : memref<!tpu.dma_semaphore, #tpu.memory_space<semaphore_mem>>)
      %dma_wait3A_133 = arith.constant 0 : i32
      %dma_wait3A_134 = tpu.memref_slice %arg4[%add3A_23, %dma_wait3A_133] : memref<32768x128xf32, #tpu.memory_space<hbm>> -> memref<128x128xf32, #tpu.memory_space<hbm>>
      %dma_wait3A_135 = arith.constant 0 : i32
      %dma_wait3A_136 = tpu.memref_slice %arg4[%add3A_23, %dma_wait3A_135] : memref<32768x128xf32, #tpu.memory_space<hbm>> -> memref<128x128xf32, #tpu.memory_space<hbm>>
      tpu.wait_dma2 semaphore(%run_scoped3A : memref<!tpu.dma_semaphore, #tpu.memory_space<semaphore_mem>>) src(%arg6 : memref<128x128xf32, #tpu.memory_space<vmem>>) dst(%dma_wait3A_136 : memref<128x128xf32, #tpu.memory_space<hbm>>)
      tpu.yield
    }) : () -> ()
    %dma_start3A_24 = arith.constant 2 : i32
    %dma_start3A_25 = arith.constant 0 : i32
    %dma_start3A_26 = tpu.memref_slice %arg5[%dma_start3A_24, %dma_start3A_25] : memref<8x128xi32, #tpu.memory_space<vmem>> -> memref<1x128xi32, #tpu.memory_space<vmem>>
    %dma_start3A_27 = tpu.memref_squeeze %dma_start3A_26 : memref<1x128xi32, #tpu.memory_space<vmem>> -> memref<128xi32, #tpu.memory_space<vmem>>
    %dma_start3A_28 = arith.constant 0 : i32
    %dma_start3A_29 = arith.constant 0 : i32
    %dma_start3A_30 = tpu.memref_slice %arg3[%dma_start3A_28, %dma_start3A_29] : memref<1024x128xf32, #tpu.memory_space<hbm>> -> memref<1024x128xf32, #tpu.memory_space<hbm>>
    tpu.enqueue_indirect_dma source(%dma_start3A_30 : memref<1024x128xf32, #tpu.memory_space<hbm>>) target(%arg6 : memref<128x128xf32, #tpu.memory_space<vmem>>) offsets(%dma_start3A_27 : memref<128xi32, #tpu.memory_space<vmem>>) semaphore(%arg8 : memref<!tpu.dma_semaphore, #tpu.memory_space<semaphore_mem>>)
    %dma_wait3A_31 = arith.constant 1 : i32
    %dma_wait3A_32 = arith.constant 0 : i32
    %dma_wait3A_33 = tpu.memref_slice %arg5[%dma_wait3A_31, %dma_wait3A_32] : memref<8x128xi32, #tpu.memory_space<vmem>> -> memref<1x128xi32, #tpu.memory_space<vmem>>
    %dma_wait3A_34 = tpu.memref_squeeze %dma_wait3A_33 : memref<1x128xi32, #tpu.memory_space<vmem>> -> memref<128xi32, #tpu.memory_space<vmem>>
    %dma_wait3A_35 = arith.constant 0 : i32
    %dma_wait3A_36 = arith.constant 0 : i32
    %dma_wait3A_37 = tpu.memref_slice %arg3[%dma_wait3A_35, %dma_wait3A_36] : memref<1024x128xf32, #tpu.memory_space<hbm>> -> memref<1024x128xf32, #tpu.memory_space<hbm>>
    tpu.wait_indirect_dma semaphore(%arg9 : memref<!tpu.dma_semaphore, #tpu.memory_space<semaphore_mem>>) src(%dma_wait3A_37 : memref<1024x128xf32, #tpu.memory_space<hbm>>) dst(%arg7 : memref<128x128xf32, #tpu.memory_space<vmem>>)
    %add3A_38 = arith.constant 128 : i32
    %add3A_39 = arith.addi %mul3A_2, %add3A_38 : i32
    "tpu.region"() ({
      %run_scoped3A = tpu.sem_alloc : memref<!tpu.dma_semaphore, #tpu.memory_space<semaphore_mem>>
      %dma_start3A_129 = arith.constant 0 : i32
      %dma_start3A_130 = tpu.memref_slice %arg4[%add3A_39, %dma_start3A_129] : memref<32768x128xf32, #tpu.memory_space<hbm>> -> memref<128x128xf32, #tpu.memory_space<hbm>>
      %dma_start3A_131 = arith.constant 0 : i32
      %dma_start3A_132 = tpu.memref_slice %arg4[%add3A_39, %dma_start3A_131] : memref<32768x128xf32, #tpu.memory_space<hbm>> -> memref<128x128xf32, #tpu.memory_space<hbm>>
      tpu.enqueue_dma source(%arg7 : memref<128x128xf32, #tpu.memory_space<vmem>>) target(%dma_start3A_132 : memref<128x128xf32, #tpu.memory_space<hbm>>) target_semaphore(%run_scoped3A : memref<!tpu.dma_semaphore, #tpu.memory_space<semaphore_mem>>)
      %dma_wait3A_133 = arith.constant 0 : i32
      %dma_wait3A_134 = tpu.memref_slice %arg4[%add3A_39, %dma_wait3A_133] : memref<32768x128xf32, #tpu.memory_space<hbm>> -> memref<128x128xf32, #tpu.memory_space<hbm>>
      %dma_wait3A_135 = arith.constant 0 : i32
      %dma_wait3A_136 = tpu.memref_slice %arg4[%add3A_39, %dma_wait3A_135] : memref<32768x128xf32, #tpu.memory_space<hbm>> -> memref<128x128xf32, #tpu.memory_space<hbm>>
      tpu.wait_dma2 semaphore(%run_scoped3A : memref<!tpu.dma_semaphore, #tpu.memory_space<semaphore_mem>>) src(%arg7 : memref<128x128xf32, #tpu.memory_space<vmem>>) dst(%dma_wait3A_136 : memref<128x128xf32, #tpu.memory_space<hbm>>)
      tpu.yield
    }) : () -> ()
    %dma_start3A_40 = arith.constant 3 : i32
    %dma_start3A_41 = arith.constant 0 : i32
    %dma_start3A_42 = tpu.memref_slice %arg5[%dma_start3A_40, %dma_start3A_41] : memref<8x128xi32, #tpu.memory_space<vmem>> -> memref<1x128xi32, #tpu.memory_space<vmem>>
    %dma_start3A_43 = tpu.memref_squeeze %dma_start3A_42 : memref<1x128xi32, #tpu.memory_space<vmem>> -> memref<128xi32, #tpu.memory_space<vmem>>
    %dma_start3A_44 = arith.constant 0 : i32
    %dma_start3A_45 = arith.constant 0 : i32
    %dma_start3A_46 = tpu.memref_slice %arg3[%dma_start3A_44, %dma_start3A_45] : memref<1024x128xf32, #tpu.memory_space<hbm>> -> memref<1024x128xf32, #tpu.memory_space<hbm>>
    tpu.enqueue_indirect_dma source(%dma_start3A_46 : memref<1024x128xf32, #tpu.memory_space<hbm>>) target(%arg7 : memref<128x128xf32, #tpu.memory_space<vmem>>) offsets(%dma_start3A_43 : memref<128xi32, #tpu.memory_space<vmem>>) semaphore(%arg9 : memref<!tpu.dma_semaphore, #tpu.memory_space<semaphore_mem>>)
    %dma_wait3A_47 = arith.constant 2 : i32
    %dma_wait3A_48 = arith.constant 0 : i32
    %dma_wait3A_49 = tpu.memref_slice %arg5[%dma_wait3A_47, %dma_wait3A_48] : memref<8x128xi32, #tpu.memory_space<vmem>> -> memref<1x128xi32, #tpu.memory_space<vmem>>
    %dma_wait3A_50 = tpu.memref_squeeze %dma_wait3A_49 : memref<1x128xi32, #tpu.memory_space<vmem>> -> memref<128xi32, #tpu.memory_space<vmem>>
    %dma_wait3A_51 = arith.constant 0 : i32
    %dma_wait3A_52 = arith.constant 0 : i32
    %dma_wait3A_53 = tpu.memref_slice %arg3[%dma_wait3A_51, %dma_wait3A_52] : memref<1024x128xf32, #tpu.memory_space<hbm>> -> memref<1024x128xf32, #tpu.memory_space<hbm>>
    tpu.wait_indirect_dma semaphore(%arg8 : memref<!tpu.dma_semaphore, #tpu.memory_space<semaphore_mem>>) src(%dma_wait3A_53 : memref<1024x128xf32, #tpu.memory_space<hbm>>) dst(%arg6 : memref<128x128xf32, #tpu.memory_space<vmem>>)
    %add3A_54 = arith.constant 256 : i32
    %add3A_55 = arith.addi %mul3A_2, %add3A_54 : i32
    "tpu.region"() ({
      %run_scoped3A = tpu.sem_alloc : memref<!tpu.dma_semaphore, #tpu.memory_space<semaphore_mem>>
      %dma_start3A_129 = arith.constant 0 : i32
      %dma_start3A_130 = tpu.memref_slice %arg4[%add3A_55, %dma_start3A_129] : memref<32768x128xf32, #tpu.memory_space<hbm>> -> memref<128x128xf32, #tpu.memory_space<hbm>>
      %dma_start3A_131 = arith.constant 0 : i32
      %dma_start3A_132 = tpu.memref_slice %arg4[%add3A_55, %dma_start3A_131] : memref<32768x128xf32, #tpu.memory_space<hbm>> -> memref<128x128xf32, #tpu.memory_space<hbm>>
      tpu.enqueue_dma source(%arg6 : memref<128x128xf32, #tpu.memory_space<vmem>>) target(%dma_start3A_132 : memref<128x128xf32, #tpu.memory_space<hbm>>) target_semaphore(%run_scoped3A : memref<!tpu.dma_semaphore, #tpu.memory_space<semaphore_mem>>)
      %dma_wait3A_133 = arith.constant 0 : i32
      %dma_wait3A_134 = tpu.memref_slice %arg4[%add3A_55, %dma_wait3A_133] : memref<32768x128xf32, #tpu.memory_space<hbm>> -> memref<128x128xf32, #tpu.memory_space<hbm>>
      %dma_wait3A_135 = arith.constant 0 : i32
      %dma_wait3A_136 = tpu.memref_slice %arg4[%add3A_55, %dma_wait3A_135] : memref<32768x128xf32, #tpu.memory_space<hbm>> -> memref<128x128xf32, #tpu.memory_space<hbm>>
      tpu.wait_dma2 semaphore(%run_scoped3A : memref<!tpu.dma_semaphore, #tpu.memory_space<semaphore_mem>>) src(%arg6 : memref<128x128xf32, #tpu.memory_space<vmem>>) dst(%dma_wait3A_136 : memref<128x128xf32, #tpu.memory_space<hbm>>)
      tpu.yield
    }) : () -> ()
    %dma_start3A_56 = arith.constant 4 : i32
    %dma_start3A_57 = arith.constant 0 : i32
    %dma_start3A_58 = tpu.memref_slice %arg5[%dma_start3A_56, %dma_start3A_57] : memref<8x128xi32, #tpu.memory_space<vmem>> -> memref<1x128xi32, #tpu.memory_space<vmem>>
    %dma_start3A_59 = tpu.memref_squeeze %dma_start3A_58 : memref<1x128xi32, #tpu.memory_space<vmem>> -> memref<128xi32, #tpu.memory_space<vmem>>
    %dma_start3A_60 = arith.constant 0 : i32
    %dma_start3A_61 = arith.constant 0 : i32
    %dma_start3A_62 = tpu.memref_slice %arg3[%dma_start3A_60, %dma_start3A_61] : memref<1024x128xf32, #tpu.memory_space<hbm>> -> memref<1024x128xf32, #tpu.memory_space<hbm>>
    tpu.enqueue_indirect_dma source(%dma_start3A_62 : memref<1024x128xf32, #tpu.memory_space<hbm>>) target(%arg6 : memref<128x128xf32, #tpu.memory_space<vmem>>) offsets(%dma_start3A_59 : memref<128xi32, #tpu.memory_space<vmem>>) semaphore(%arg8 : memref<!tpu.dma_semaphore, #tpu.memory_space<semaphore_mem>>)
    %dma_wait3A_63 = arith.constant 3 : i32
    %dma_wait3A_64 = arith.constant 0 : i32
    %dma_wait3A_65 = tpu.memref_slice %arg5[%dma_wait3A_63, %dma_wait3A_64] : memref<8x128xi32, #tpu.memory_space<vmem>> -> memref<1x128xi32, #tpu.memory_space<vmem>>
    %dma_wait3A_66 = tpu.memref_squeeze %dma_wait3A_65 : memref<1x128xi32, #tpu.memory_space<vmem>> -> memref<128xi32, #tpu.memory_space<vmem>>
    %dma_wait3A_67 = arith.constant 0 : i32
    %dma_wait3A_68 = arith.constant 0 : i32
    %dma_wait3A_69 = tpu.memref_slice %arg3[%dma_wait3A_67, %dma_wait3A_68] : memref<1024x128xf32, #tpu.memory_space<hbm>> -> memref<1024x128xf32, #tpu.memory_space<hbm>>
    tpu.wait_indirect_dma semaphore(%arg9 : memref<!tpu.dma_semaphore, #tpu.memory_space<semaphore_mem>>) src(%dma_wait3A_69 : memref<1024x128xf32, #tpu.memory_space<hbm>>) dst(%arg7 : memref<128x128xf32, #tpu.memory_space<vmem>>)
    %add3A_70 = arith.constant 384 : i32
    %add3A_71 = arith.addi %mul3A_2, %add3A_70 : i32
    "tpu.region"() ({
      %run_scoped3A = tpu.sem_alloc : memref<!tpu.dma_semaphore, #tpu.memory_space<semaphore_mem>>
      %dma_start3A_129 = arith.constant 0 : i32
      %dma_start3A_130 = tpu.memref_slice %arg4[%add3A_71, %dma_start3A_129] : memref<32768x128xf32, #tpu.memory_space<hbm>> -> memref<128x128xf32, #tpu.memory_space<hbm>>
      %dma_start3A_131 = arith.constant 0 : i32
      %dma_start3A_132 = tpu.memref_slice %arg4[%add3A_71, %dma_start3A_131] : memref<32768x128xf32, #tpu.memory_space<hbm>> -> memref<128x128xf32, #tpu.memory_space<hbm>>
      tpu.enqueue_dma source(%arg7 : memref<128x128xf32, #tpu.memory_space<vmem>>) target(%dma_start3A_132 : memref<128x128xf32, #tpu.memory_space<hbm>>) target_semaphore(%run_scoped3A : memref<!tpu.dma_semaphore, #tpu.memory_space<semaphore_mem>>)
      %dma_wait3A_133 = arith.constant 0 : i32
      %dma_wait3A_134 = tpu.memref_slice %arg4[%add3A_71, %dma_wait3A_133] : memref<32768x128xf32, #tpu.memory_space<hbm>> -> memref<128x128xf32, #tpu.memory_space<hbm>>
      %dma_wait3A_135 = arith.constant 0 : i32
      %dma_wait3A_136 = tpu.memref_slice %arg4[%add3A_71, %dma_wait3A_135] : memref<32768x128xf32, #tpu.memory_space<hbm>> -> memref<128x128xf32, #tpu.memory_space<hbm>>
      tpu.wait_dma2 semaphore(%run_scoped3A : memref<!tpu.dma_semaphore, #tpu.memory_space<semaphore_mem>>) src(%arg7 : memref<128x128xf32, #tpu.memory_space<vmem>>) dst(%dma_wait3A_136 : memref<128x128xf32, #tpu.memory_space<hbm>>)
      tpu.yield
    }) : () -> ()
    %dma_start3A_72 = arith.constant 5 : i32
    %dma_start3A_73 = arith.constant 0 : i32
    %dma_start3A_74 = tpu.memref_slice %arg5[%dma_start3A_72, %dma_start3A_73] : memref<8x128xi32, #tpu.memory_space<vmem>> -> memref<1x128xi32, #tpu.memory_space<vmem>>
    %dma_start3A_75 = tpu.memref_squeeze %dma_start3A_74 : memref<1x128xi32, #tpu.memory_space<vmem>> -> memref<128xi32, #tpu.memory_space<vmem>>
    %dma_start3A_76 = arith.constant 0 : i32
    %dma_start3A_77 = arith.constant 0 : i32
    %dma_start3A_78 = tpu.memref_slice %arg3[%dma_start3A_76, %dma_start3A_77] : memref<1024x128xf32, #tpu.memory_space<hbm>> -> memref<1024x128xf32, #tpu.memory_space<hbm>>
    tpu.enqueue_indirect_dma source(%dma_start3A_78 : memref<1024x128xf32, #tpu.memory_space<hbm>>) target(%arg7 : memref<128x128xf32, #tpu.memory_space<vmem>>) offsets(%dma_start3A_75 : memref<128xi32, #tpu.memory_space<vmem>>) semaphore(%arg9 : memref<!tpu.dma_semaphore, #tpu.memory_space<semaphore_mem>>)
    %dma_wait3A_79 = arith.constant 4 : i32
    %dma_wait3A_80 = arith.constant 0 : i32
    %dma_wait3A_81 = tpu.memref_slice %arg5[%dma_wait3A_79, %dma_wait3A_80] : memref<8x128xi32, #tpu.memory_space<vmem>> -> memref<1x128xi32, #tpu.memory_space<vmem>>
    %dma_wait3A_82 = tpu.memref_squeeze %dma_wait3A_81 : memref<1x128xi32, #tpu.memory_space<vmem>> -> memref<128xi32, #tpu.memory_space<vmem>>
    %dma_wait3A_83 = arith.constant 0 : i32
    %dma_wait3A_84 = arith.constant 0 : i32
    %dma_wait3A_85 = tpu.memref_slice %arg3[%dma_wait3A_83, %dma_wait3A_84] : memref<1024x128xf32, #tpu.memory_space<hbm>> -> memref<1024x128xf32, #tpu.memory_space<hbm>>
    tpu.wait_indirect_dma semaphore(%arg8 : memref<!tpu.dma_semaphore, #tpu.memory_space<semaphore_mem>>) src(%dma_wait3A_85 : memref<1024x128xf32, #tpu.memory_space<hbm>>) dst(%arg6 : memref<128x128xf32, #tpu.memory_space<vmem>>)
    %add3A_86 = arith.constant 512 : i32
    %add3A_87 = arith.addi %mul3A_2, %add3A_86 : i32
    "tpu.region"() ({
      %run_scoped3A = tpu.sem_alloc : memref<!tpu.dma_semaphore, #tpu.memory_space<semaphore_mem>>
      %dma_start3A_129 = arith.constant 0 : i32
      %dma_start3A_130 = tpu.memref_slice %arg4[%add3A_87, %dma_start3A_129] : memref<32768x128xf32, #tpu.memory_space<hbm>> -> memref<128x128xf32, #tpu.memory_space<hbm>>
      %dma_start3A_131 = arith.constant 0 : i32
      %dma_start3A_132 = tpu.memref_slice %arg4[%add3A_87, %dma_start3A_131] : memref<32768x128xf32, #tpu.memory_space<hbm>> -> memref<128x128xf32, #tpu.memory_space<hbm>>
      tpu.enqueue_dma source(%arg6 : memref<128x128xf32, #tpu.memory_space<vmem>>) target(%dma_start3A_132 : memref<128x128xf32, #tpu.memory_space<hbm>>) target_semaphore(%run_scoped3A : memref<!tpu.dma_semaphore, #tpu.memory_space<semaphore_mem>>)
      %dma_wait3A_133 = arith.constant 0 : i32
      %dma_wait3A_134 = tpu.memref_slice %arg4[%add3A_87, %dma_wait3A_133] : memref<32768x128xf32, #tpu.memory_space<hbm>> -> memref<128x128xf32, #tpu.memory_space<hbm>>
      %dma_wait3A_135 = arith.constant 0 : i32
      %dma_wait3A_136 = tpu.memref_slice %arg4[%add3A_87, %dma_wait3A_135] : memref<32768x128xf32, #tpu.memory_space<hbm>> -> memref<128x128xf32, #tpu.memory_space<hbm>>
      tpu.wait_dma2 semaphore(%run_scoped3A : memref<!tpu.dma_semaphore, #tpu.memory_space<semaphore_mem>>) src(%arg6 : memref<128x128xf32, #tpu.memory_space<vmem>>) dst(%dma_wait3A_136 : memref<128x128xf32, #tpu.memory_space<hbm>>)
      tpu.yield
    }) : () -> ()
    %dma_start3A_88 = arith.constant 6 : i32
    %dma_start3A_89 = arith.constant 0 : i32
    %dma_start3A_90 = tpu.memref_slice %arg5[%dma_start3A_88, %dma_start3A_89] : memref<8x128xi32, #tpu.memory_space<vmem>> -> memref<1x128xi32, #tpu.memory_space<vmem>>
    %dma_start3A_91 = tpu.memref_squeeze %dma_start3A_90 : memref<1x128xi32, #tpu.memory_space<vmem>> -> memref<128xi32, #tpu.memory_space<vmem>>
    %dma_start3A_92 = arith.constant 0 : i32
    %dma_start3A_93 = arith.constant 0 : i32
    %dma_start3A_94 = tpu.memref_slice %arg3[%dma_start3A_92, %dma_start3A_93] : memref<1024x128xf32, #tpu.memory_space<hbm>> -> memref<1024x128xf32, #tpu.memory_space<hbm>>
    tpu.enqueue_indirect_dma source(%dma_start3A_94 : memref<1024x128xf32, #tpu.memory_space<hbm>>) target(%arg6 : memref<128x128xf32, #tpu.memory_space<vmem>>) offsets(%dma_start3A_91 : memref<128xi32, #tpu.memory_space<vmem>>) semaphore(%arg8 : memref<!tpu.dma_semaphore, #tpu.memory_space<semaphore_mem>>)
    %dma_wait3A_95 = arith.constant 5 : i32
    %dma_wait3A_96 = arith.constant 0 : i32
    %dma_wait3A_97 = tpu.memref_slice %arg5[%dma_wait3A_95, %dma_wait3A_96] : memref<8x128xi32, #tpu.memory_space<vmem>> -> memref<1x128xi32, #tpu.memory_space<vmem>>
    %dma_wait3A_98 = tpu.memref_squeeze %dma_wait3A_97 : memref<1x128xi32, #tpu.memory_space<vmem>> -> memref<128xi32, #tpu.memory_space<vmem>>
    %dma_wait3A_99 = arith.constant 0 : i32
    %dma_wait3A_100 = arith.constant 0 : i32
    %dma_wait3A_101 = tpu.memref_slice %arg3[%dma_wait3A_99, %dma_wait3A_100] : memref<1024x128xf32, #tpu.memory_space<hbm>> -> memref<1024x128xf32, #tpu.memory_space<hbm>>
    tpu.wait_indirect_dma semaphore(%arg9 : memref<!tpu.dma_semaphore, #tpu.memory_space<semaphore_mem>>) src(%dma_wait3A_101 : memref<1024x128xf32, #tpu.memory_space<hbm>>) dst(%arg7 : memref<128x128xf32, #tpu.memory_space<vmem>>)
    %add3A_102 = arith.constant 640 : i32
    %add3A_103 = arith.addi %mul3A_2, %add3A_102 : i32
    "tpu.region"() ({
      %run_scoped3A = tpu.sem_alloc : memref<!tpu.dma_semaphore, #tpu.memory_space<semaphore_mem>>
      %dma_start3A_129 = arith.constant 0 : i32
      %dma_start3A_130 = tpu.memref_slice %arg4[%add3A_103, %dma_start3A_129] : memref<32768x128xf32, #tpu.memory_space<hbm>> -> memref<128x128xf32, #tpu.memory_space<hbm>>
      %dma_start3A_131 = arith.constant 0 : i32
      %dma_start3A_132 = tpu.memref_slice %arg4[%add3A_103, %dma_start3A_131] : memref<32768x128xf32, #tpu.memory_space<hbm>> -> memref<128x128xf32, #tpu.memory_space<hbm>>
      tpu.enqueue_dma source(%arg7 : memref<128x128xf32, #tpu.memory_space<vmem>>) target(%dma_start3A_132 : memref<128x128xf32, #tpu.memory_space<hbm>>) target_semaphore(%run_scoped3A : memref<!tpu.dma_semaphore, #tpu.memory_space<semaphore_mem>>)
      %dma_wait3A_133 = arith.constant 0 : i32
      %dma_wait3A_134 = tpu.memref_slice %arg4[%add3A_103, %dma_wait3A_133] : memref<32768x128xf32, #tpu.memory_space<hbm>> -> memref<128x128xf32, #tpu.memory_space<hbm>>
      %dma_wait3A_135 = arith.constant 0 : i32
      %dma_wait3A_136 = tpu.memref_slice %arg4[%add3A_103, %dma_wait3A_135] : memref<32768x128xf32, #tpu.memory_space<hbm>> -> memref<128x128xf32, #tpu.memory_space<hbm>>
      tpu.wait_dma2 semaphore(%run_scoped3A : memref<!tpu.dma_semaphore, #tpu.memory_space<semaphore_mem>>) src(%arg7 : memref<128x128xf32, #tpu.memory_space<vmem>>) dst(%dma_wait3A_136 : memref<128x128xf32, #tpu.memory_space<hbm>>)
      tpu.yield
    }) : () -> ()
    %dma_start3A_104 = arith.constant 7 : i32
    %dma_start3A_105 = arith.constant 0 : i32
    %dma_start3A_106 = tpu.memref_slice %arg5[%dma_start3A_104, %dma_start3A_105] : memref<8x128xi32, #tpu.memory_space<vmem>> -> memref<1x128xi32, #tpu.memory_space<vmem>>
    %dma_start3A_107 = tpu.memref_squeeze %dma_start3A_106 : memref<1x128xi32, #tpu.memory_space<vmem>> -> memref<128xi32, #tpu.memory_space<vmem>>
    %dma_start3A_108 = arith.constant 0 : i32
    %dma_start3A_109 = arith.constant 0 : i32
    %dma_start3A_110 = tpu.memref_slice %arg3[%dma_start3A_108, %dma_start3A_109] : memref<1024x128xf32, #tpu.memory_space<hbm>> -> memref<1024x128xf32, #tpu.memory_space<hbm>>
    tpu.enqueue_indirect_dma source(%dma_start3A_110 : memref<1024x128xf32, #tpu.memory_space<hbm>>) target(%arg7 : memref<128x128xf32, #tpu.memory_space<vmem>>) offsets(%dma_start3A_107 : memref<128xi32, #tpu.memory_space<vmem>>) semaphore(%arg9 : memref<!tpu.dma_semaphore, #tpu.memory_space<semaphore_mem>>)
    %dma_wait3A_111 = arith.constant 6 : i32
    %dma_wait3A_112 = arith.constant 0 : i32
    %dma_wait3A_113 = tpu.memref_slice %arg5[%dma_wait3A_111, %dma_wait3A_112] : memref<8x128xi32, #tpu.memory_space<vmem>> -> memref<1x128xi32, #tpu.memory_space<vmem>>
    %dma_wait3A_114 = tpu.memref_squeeze %dma_wait3A_113 : memref<1x128xi32, #tpu.memory_space<vmem>> -> memref<128xi32, #tpu.memory_space<vmem>>
    %dma_wait3A_115 = arith.constant 0 : i32
    %dma_wait3A_116 = arith.constant 0 : i32
    %dma_wait3A_117 = tpu.memref_slice %arg3[%dma_wait3A_115, %dma_wait3A_116] : memref<1024x128xf32, #tpu.memory_space<hbm>> -> memref<1024x128xf32, #tpu.memory_space<hbm>>
    tpu.wait_indirect_dma semaphore(%arg8 : memref<!tpu.dma_semaphore, #tpu.memory_space<semaphore_mem>>) src(%dma_wait3A_117 : memref<1024x128xf32, #tpu.memory_space<hbm>>) dst(%arg6 : memref<128x128xf32, #tpu.memory_space<vmem>>)
    %add3A_118 = arith.constant 768 : i32
    %add3A_119 = arith.addi %mul3A_2, %add3A_118 : i32
    "tpu.region"() ({
      %run_scoped3A = tpu.sem_alloc : memref<!tpu.dma_semaphore, #tpu.memory_space<semaphore_mem>>
      %dma_start3A_129 = arith.constant 0 : i32
      %dma_start3A_130 = tpu.memref_slice %arg4[%add3A_119, %dma_start3A_129] : memref<32768x128xf32, #tpu.memory_space<hbm>> -> memref<128x128xf32, #tpu.memory_space<hbm>>
      %dma_start3A_131 = arith.constant 0 : i32
      %dma_start3A_132 = tpu.memref_slice %arg4[%add3A_119, %dma_start3A_131] : memref<32768x128xf32, #tpu.memory_space<hbm>> -> memref<128x128xf32, #tpu.memory_space<hbm>>
      tpu.enqueue_dma source(%arg6 : memref<128x128xf32, #tpu.memory_space<vmem>>) target(%dma_start3A_132 : memref<128x128xf32, #tpu.memory_space<hbm>>) target_semaphore(%run_scoped3A : memref<!tpu.dma_semaphore, #tpu.memory_space<semaphore_mem>>)
      %dma_wait3A_133 = arith.constant 0 : i32
      %dma_wait3A_134 = tpu.memref_slice %arg4[%add3A_119, %dma_wait3A_133] : memref<32768x128xf32, #tpu.memory_space<hbm>> -> memref<128x128xf32, #tpu.memory_space<hbm>>
      %dma_wait3A_135 = arith.constant 0 : i32
      %dma_wait3A_136 = tpu.memref_slice %arg4[%add3A_119, %dma_wait3A_135] : memref<32768x128xf32, #tpu.memory_space<hbm>> -> memref<128x128xf32, #tpu.memory_space<hbm>>
      tpu.wait_dma2 semaphore(%run_scoped3A : memref<!tpu.dma_semaphore, #tpu.memory_space<semaphore_mem>>) src(%arg6 : memref<128x128xf32, #tpu.memory_space<vmem>>) dst(%dma_wait3A_136 : memref<128x128xf32, #tpu.memory_space<hbm>>)
      tpu.yield
    }) : () -> ()
    %dma_wait3A_120 = arith.constant 7 : i32
    %dma_wait3A_121 = arith.constant 0 : i32
    %dma_wait3A_122 = tpu.memref_slice %arg5[%dma_wait3A_120, %dma_wait3A_121] : memref<8x128xi32, #tpu.memory_space<vmem>> -> memref<1x128xi32, #tpu.memory_space<vmem>>
    %dma_wait3A_123 = tpu.memref_squeeze %dma_wait3A_122 : memref<1x128xi32, #tpu.memory_space<vmem>> -> memref<128xi32, #tpu.memory_space<vmem>>
    %dma_wait3A_124 = arith.constant 0 : i32
    %dma_wait3A_125 = arith.constant 0 : i32
    %dma_wait3A_126 = tpu.memref_slice %arg3[%dma_wait3A_124, %dma_wait3A_125] : memref<1024x128xf32, #tpu.memory_space<hbm>> -> memref<1024x128xf32, #tpu.memory_space<hbm>>
    tpu.wait_indirect_dma semaphore(%arg9 : memref<!tpu.dma_semaphore, #tpu.memory_space<semaphore_mem>>) src(%dma_wait3A_126 : memref<1024x128xf32, #tpu.memory_space<hbm>>) dst(%arg7 : memref<128x128xf32, #tpu.memory_space<vmem>>)
    %add3A_127 = arith.constant 896 : i32
    %add3A_128 = arith.addi %mul3A_2, %add3A_127 : i32
    "tpu.region"() ({
      %run_scoped3A = tpu.sem_alloc : memref<!tpu.dma_semaphore, #tpu.memory_space<semaphore_mem>>
      %dma_start3A_129 = arith.constant 0 : i32
      %dma_start3A_130 = tpu.memref_slice %arg4[%add3A_128, %dma_start3A_129] : memref<32768x128xf32, #tpu.memory_space<hbm>> -> memref<128x128xf32, #tpu.memory_space<hbm>>
      %dma_start3A_131 = arith.constant 0 : i32
      %dma_start3A_132 = tpu.memref_slice %arg4[%add3A_128, %dma_start3A_131] : memref<32768x128xf32, #tpu.memory_space<hbm>> -> memref<128x128xf32, #tpu.memory_space<hbm>>
      tpu.enqueue_dma source(%arg7 : memref<128x128xf32, #tpu.memory_space<vmem>>) target(%dma_start3A_132 : memref<128x128xf32, #tpu.memory_space<hbm>>) target_semaphore(%run_scoped3A : memref<!tpu.dma_semaphore, #tpu.memory_space<semaphore_mem>>)
      %dma_wait3A_133 = arith.constant 0 : i32
      %dma_wait3A_134 = tpu.memref_slice %arg4[%add3A_128, %dma_wait3A_133] : memref<32768x128xf32, #tpu.memory_space<hbm>> -> memref<128x128xf32, #tpu.memory_space<hbm>>
      %dma_wait3A_135 = arith.constant 0 : i32
      %dma_wait3A_136 = tpu.memref_slice %arg4[%add3A_128, %dma_wait3A_135] : memref<32768x128xf32, #tpu.memory_space<hbm>> -> memref<128x128xf32, #tpu.memory_space<hbm>>
      tpu.wait_dma2 semaphore(%run_scoped3A : memref<!tpu.dma_semaphore, #tpu.memory_space<semaphore_mem>>) src(%arg7 : memref<128x128xf32, #tpu.memory_space<vmem>>) dst(%dma_wait3A_136 : memref<128x128xf32, #tpu.memory_space<hbm>>)
      tpu.yield
    }) : () -> ()
    return
  }
}

module attributes {stable_mosaic.version = 14 : i64} {
  func.func @_e2_body(%arg0: memref<1024x64xf32, #tpu.memory_space<vmem>>, %arg1: memref<8x1024xf32, #tpu.memory_space<vmem>>) attributes {dimension_semantics = [], scalar_prefetch = 0 : i64, scratch_operands = 0 : i64, tpu.core_type = #tpu.core_type<tc>} {
    %get3A = arith.constant 0 : index
    %get3A_0 = arith.constant 0 : index
    %get3A_1 = vector.load %arg0[%get3A, %get3A_0] : memref<1024x64xf32, #tpu.memory_space<vmem>>, vector<1024x64xf32>
    %broadcast_in_dim3A = arith.constant 1.000000e+00 : f32
    %broadcast_in_dim3A_2 = vector.broadcast %broadcast_in_dim3A : f32 to vector<8x64xf32>
    %mul3A = arith.mulf %get3A_1, %get3A_1 : vector<1024x64xf32>
    %dot_general3A = arith.constant dense<0.000000e+00> : vector<8x1024xf32>
    %dot_general3A_3 = tpu.matmul %broadcast_in_dim3A_2, %mul3A, %dot_general3A {dimension_numbers = #tpu.dot_dimension_numbers<[1], [1], [0], [0], [0, 0, 1, 0], [], []>, precision = #tpu.contract_precision<fp32>, transpose_lhs_hint = false} : vector<8x64xf32>, vector<1024x64xf32>, vector<8x1024xf32> -> vector<8x1024xf32>
    %swap3A = arith.constant 0 : index
    %swap3A_4 = arith.constant 0 : index
    %swap3A_5 = vector.load %arg1[%swap3A, %swap3A_4] : memref<8x1024xf32, #tpu.memory_space<vmem>>, vector<8x1024xf32>
    tpu.vector_store %arg1[%swap3A, %swap3A_4], %dot_general3A_3 {strides = array<i32>} : memref<8x1024xf32, #tpu.memory_space<vmem>>, vector<8x1024xf32>,
    return
  }
}

module attributes {stable_mosaic.version = 14 : i64} {
  func.func @_enc_body(%arg0: i32, %arg1: i32, %arg2: memref<1x1024x2048xf32, #tpu.memory_space<vmem>>, %arg3: memref<1024x64xf32, #tpu.memory_space<vmem>>, %arg4: memref<1x64xf32, #tpu.memory_space<vmem>>, %arg5: memref<1024x64xf32, #tpu.memory_space<vmem>>, %arg6: memref<1x1024xf32, #tpu.memory_space<vmem>>, %arg7: memref<1x1x2048xi32, #tpu.memory_space<vmem>>) attributes {dimension_semantics = [#tpu.dimension_semantics<arbitrary>, #tpu.dimension_semantics<arbitrary>], iteration_bounds = array<i64: 16, 1>, scalar_prefetch = 0 : i64, scratch_operands = 0 : i64, tpu.core_type = #tpu.core_type<tc>, window_params = [{transform_indices = @transform_0, window_bounds = array<i64: 1, 1024, 2048>}, {pipeline_mode = #tpu.pipeline_mode<synchronous>, transform_indices = @transform_1, window_bounds = array<i64: 1024, 64>}, {pipeline_mode = #tpu.pipeline_mode<synchronous>, transform_indices = @transform_2, window_bounds = array<i64: 1, 64>}, {pipeline_mode = #tpu.pipeline_mode<synchronous>, transform_indices = @transform_3, window_bounds = array<i64: 1024, 64>}, {pipeline_mode = #tpu.pipeline_mode<synchronous>, transform_indices = @transform_4, window_bounds = array<i64: 1, 1024>}, {transform_indices = @transform_5, window_bounds = array<i64: 1, 1, 2048>}]} {
    %get3A = arith.constant 0 : index
    %get3A_0 = arith.constant 0 : index
    %get3A_1 = arith.constant 0 : index
    %get3A_2 = vector.load %arg2[%get3A, %get3A_0, %get3A_1] : memref<1x1024x2048xf32, #tpu.memory_space<vmem>>, vector<1x1024x2048xf32>
    %get3A_3 = vector.shape_cast %get3A_2 : vector<1x1024x2048xf32> to vector<1024x2048xf32>
    %get3A_4 = arith.constant 0 : index
    %get3A_5 = arith.constant 0 : index
    %get3A_6 = vector.load %arg3[%get3A_4, %get3A_5] : memref<1024x64xf32, #tpu.memory_space<vmem>>, vector<1024x64xf32>
    %get3A_7 = arith.constant 0 : index
    %get3A_8 = arith.constant 0 : index
    %get3A_9 = vector.load %arg5[%get3A_7, %get3A_8] : memref<1024x64xf32, #tpu.memory_space<vmem>>, vector<1024x64xf32>
    %dot_general3A = arith.constant dense<0.000000e+00> : vector<2048x64xf32>
    %dot_general3A_10 = tpu.matmul %get3A_3, %get3A_6, %dot_general3A {dimension_numbers = #tpu.dot_dimension_numbers<[0], [0], [1], [1], [0, 1, 1, 1], [], []>, transpose_lhs_hint = false} : vector<1024x2048xf32>, vector<1024x64xf32>, vector<2048x64xf32> -> vector<2048x64xf32>
    %get3A_11 = arith.constant 0 : index
    %get3A_12 = arith.constant 0 : index
    %get3A_13 = vector.load %arg4[%get3A_11, %get3A_12] : memref<1x64xf32, #tpu.memory_space<vmem>>, vector<1x64xf32>
    %add3A = vector.broadcast %get3A_13 : vector<1x64xf32> to vector<2048x64xf32>
    %add3A_14 = arith.addf %dot_general3A_10, %add3A : vector<2048x64xf32>
    %mul3A = arith.mulf %add3A_14, %add3A_14 : vector<2048x64xf32>
    %reduce_sum3A = arith.constant dense<0.000000e+00> : vector<2048xf32>
    %reduce_sum3A_15 = vector.multi_reduction <add>, %mul3A, %reduce_sum3A [1] : vector<2048x64xf32> to vector<2048xf32>
    %broadcast_in_dim3A = vector.shape_cast %reduce_sum3A_15 : vector<2048xf32> to vector<2048x1xf32>
    %dot_general3A_16 = arith.constant dense<0.000000e+00> : vector<2048x1024xf32>
    %dot_general3A_17 = tpu.matmul %add3A_14, %get3A_9, %dot_general3A_16 {dimension_numbers = #tpu.dot_dimension_numbers<[1], [1], [0], [0], [0, 0, 1, 0], [], []>, transpose_lhs_hint = false} : vector<2048x64xf32>, vector<1024x64xf32>, vector<2048x1024xf32> -> vector<2048x1024xf32>
    %mul3A_18 = arith.constant 2.000000e+00 : f32
    %mul3A_19 = vector.broadcast %mul3A_18 : f32 to vector<2048x1024xf32>
    %mul3A_20 = arith.mulf %mul3A_19, %dot_general3A_17 : vector<2048x1024xf32>
    %sub3A = vector.broadcast %broadcast_in_dim3A : vector<2048x1xf32> to vector<2048x1024xf32>
    %sub3A_21 = arith.subf %sub3A, %mul3A_20 : vector<2048x1024xf32>
    %get3A_22 = arith.constant 0 : index
    %get3A_23 = arith.constant 0 : index
    %get3A_24 = vector.load %arg6[%get3A_22, %get3A_23] : memref<1x1024xf32, #tpu.memory_space<vmem>>, vector<1x1024xf32>
    %add3A_25 = vector.broadcast %get3A_24 : vector<1x1024xf32> to vector<2048x1024xf32>
    %add3A_26 = arith.addf %sub3A_21, %add3A_25 : vector<2048x1024xf32>
    %neg3A = arith.constant 0.000000e+00 : f32
    %neg3A_27 = vector.broadcast %neg3A : f32 to vector<2048x1024xf32>
    %neg3A_28 = arith.subf %neg3A_27, %add3A_26 : vector<2048x1024xf32>
    %argmax3A = tpu.reduce_index %neg3A_28 {axis = 1 : i32, kind = #tpu.reduction_kind<arg_max>} : vector<2048x1024xf32> -> vector<2048xi32>
    %swap3A = arith.constant 0 : index
    %swap3A_29 = arith.constant 0 : index
    %swap3A_30 = arith.constant 0 : index
    %swap3A_31 = vector.load %arg7[%swap3A, %swap3A_29, %swap3A_30] : memref<1x1x2048xi32, #tpu.memory_space<vmem>>, vector<1x1x2048xi32>
    %swap3A_32 = vector.shape_cast %swap3A_31 : vector<1x1x2048xi32> to vector<2048xi32>
    %swap3A_33 = vector.shape_cast %argmax3A : vector<2048xi32> to vector<1x1x2048xi32>
    tpu.vector_store %arg7[%swap3A, %swap3A_29, %swap3A_30], %swap3A_33 {strides = array<i32>} : memref<1x1x2048xi32, #tpu.memory_space<vmem>>, vector<1x1x2048xi32>,
    return
  }
  func.func @transform_0(%arg0: i32, %arg1: i32) -> (i32, i32, i32) {
    %c0_i32 = arith.constant 0 : i32
    %c0_i32_0 = arith.constant 0 : i32
    return %arg0, %c0_i32, %arg1 : i32, i32, i32
  }
  func.func @transform_1(%arg0: i32, %arg1: i32) -> (i32, i32) {
    %c0_i32 = arith.constant 0 : i32
    %c0_i32_0 = arith.constant 0 : i32
    %c0_i32_1 = arith.constant 0 : i32
    return %c0_i32, %c0_i32_0 : i32, i32
  }
  func.func @transform_2(%arg0: i32, %arg1: i32) -> (i32, i32) {
    %c0_i32 = arith.constant 0 : i32
    %c0_i32_0 = arith.constant 0 : i32
    %c0_i32_1 = arith.constant 0 : i32
    return %c0_i32, %c0_i32_0 : i32, i32
  }
  func.func @transform_3(%arg0: i32, %arg1: i32) -> (i32, i32) {
    %c0_i32 = arith.constant 0 : i32
    %c0_i32_0 = arith.constant 0 : i32
    %c0_i32_1 = arith.constant 0 : i32
    return %c0_i32, %c0_i32_0 : i32, i32
  }
  func.func @transform_4(%arg0: i32, %arg1: i32) -> (i32, i32) {
    %c0_i32 = arith.constant 0 : i32
    %c0_i32_0 = arith.constant 0 : i32
    %c0_i32_1 = arith.constant 0 : i32
    return %c0_i32, %c0_i32_0 : i32, i32
  }
  func.func @transform_5(%arg0: i32, %arg1: i32) -> (i32, i32, i32) {
    %c0_i32 = arith.constant 0 : i32
    %c0_i32_0 = arith.constant 0 : i32
    return %arg0, %c0_i32, %arg1 : i32, i32, i32
  }
}

module attributes {stable_mosaic.version = 14 : i64} {
  func.func @_dec_body(%arg0: i32, %arg1: i32, %arg2: memref<1x2048x128xf32, #tpu.memory_space<vmem>>, %arg3: memref<64x1024xf32, #tpu.memory_space<vmem>>, %arg4: memref<1024x1xf32, #tpu.memory_space<vmem>>, %arg5: memref<1x1024x2048xf32, #tpu.memory_space<vmem>>) attributes {dimension_semantics = [#tpu.dimension_semantics<arbitrary>, #tpu.dimension_semantics<arbitrary>], iteration_bounds = array<i64: 16, 1>, scalar_prefetch = 0 : i64, scratch_operands = 0 : i64, tpu.core_type = #tpu.core_type<tc>, window_params = [{transform_indices = @transform_0, window_bounds = array<i64: 1, 2048, 128>}, {pipeline_mode = #tpu.pipeline_mode<synchronous>, transform_indices = @transform_1, window_bounds = array<i64: 64, 1024>}, {pipeline_mode = #tpu.pipeline_mode<synchronous>, transform_indices = @transform_2, window_bounds = array<i64: 1024, 1>}, {transform_indices = @transform_3, window_bounds = array<i64: 1, 1024, 2048>}]} {
    %get3A = arith.constant 0 : index
    %get3A_0 = arith.constant 0 : index
    %get3A_1 = arith.constant 0 : index
    %get3A_2 = vector.load %arg2[%get3A, %get3A_0, %get3A_1] : memref<1x2048x128xf32, #tpu.memory_space<vmem>>, vector<1x2048x128xf32>
    %get3A_3 = vector.shape_cast %get3A_2 : vector<1x2048x128xf32> to vector<2048x128xf32>
    %slice3A = vector.extract_strided_slice %get3A_3 {offsets = [0, 0], sizes = [2048, 64], strides = [1, 1]} : vector<2048x128xf32> to vector<2048x64xf32>
    %get3A_4 = arith.constant 0 : index
    %get3A_5 = arith.constant 0 : index
    %get3A_6 = vector.load %arg3[%get3A_4, %get3A_5] : memref<64x1024xf32, #tpu.memory_space<vmem>>, vector<64x1024xf32>
    %dot_general3A = arith.constant dense<0.000000e+00> : vector<1024x2048xf32>
    %dot_general3A_7 = tpu.matmul %get3A_6, %slice3A, %dot_general3A {dimension_numbers = #tpu.dot_dimension_numbers<[0], [1], [1], [0], [0, 1, 1, 0], [], []>, transpose_lhs_hint = false} : vector<64x1024xf32>, vector<2048x64xf32>, vector<1024x2048xf32> -> vector<1024x2048xf32>
    %get3A_8 = arith.constant 0 : index
    %get3A_9 = arith.constant 0 : index
    %get3A_10 = vector.load %arg4[%get3A_8, %get3A_9] : memref<1024x1xf32, #tpu.memory_space<vmem>>, vector<1024x1xf32>
    %add3A = vector.broadcast %get3A_10 : vector<1024x1xf32> to vector<1024x2048xf32>
    %add3A_11 = arith.addf %dot_general3A_7, %add3A : vector<1024x2048xf32>
    %swap3A = arith.constant 0 : index
    %swap3A_12 = arith.constant 0 : index
    %swap3A_13 = arith.constant 0 : index
    %swap3A_14 = vector.load %arg5[%swap3A, %swap3A_12, %swap3A_13] : memref<1x1024x2048xf32, #tpu.memory_space<vmem>>, vector<1x1024x2048xf32>
    %swap3A_15 = vector.shape_cast %swap3A_14 : vector<1x1024x2048xf32> to vector<1024x2048xf32>
    %swap3A_16 = vector.shape_cast %add3A_11 : vector<1024x2048xf32> to vector<1x1024x2048xf32>
    tpu.vector_store %arg5[%swap3A, %swap3A_12, %swap3A_13], %swap3A_16 {strides = array<i32>} : memref<1x1024x2048xf32, #tpu.memory_space<vmem>>, vector<1x1024x2048xf32>,
    return
  }
  func.func @transform_0(%arg0: i32, %arg1: i32) -> (i32, i32, i32) {
    %c0_i32 = arith.constant 0 : i32
    %c0_i32_0 = arith.constant 0 : i32
    return %arg0, %arg1, %c0_i32 : i32, i32, i32
  }
  func.func @transform_1(%arg0: i32, %arg1: i32) -> (i32, i32) {
    %c0_i32 = arith.constant 0 : i32
    %c0_i32_0 = arith.constant 0 : i32
    %c0_i32_1 = arith.constant 0 : i32
    return %c0_i32, %c0_i32_0 : i32, i32
  }
  func.func @transform_2(%arg0: i32, %arg1: i32) -> (i32, i32) {
    %c0_i32 = arith.constant 0 : i32
    %c0_i32_0 = arith.constant 0 : i32
    %c0_i32_1 = arith.constant 0 : i32
    return %c0_i32, %c0_i32_0 : i32, i32
  }
  func.func @transform_3(%arg0: i32, %arg1: i32) -> (i32, i32, i32) {
    %c0_i32 = arith.constant 0 : i32
    %c0_i32_0 = arith.constant 0 : i32
    return %arg0, %c0_i32, %arg1 : i32, i32, i32
  }
}

</mosaic_0001>

<sc_bundles>
// kernel: kernel.6.cloned.1.call-start
scs
__scs_entry_jumppad:
0x0: {  	(pc) =	sbr.rel $0x88, $3  }
0x1: {  	(tag) =	ssettag $0x0;
	lr =	simm.s32 $0x1  }
0x2: {  	[smem:$0x3F9B] =	sst lr;
	_ =	strace $0xD0000000  }
0x3: {  	_ = 	snop  }
0x4: {  	_ = 	snop  }
0x5: {  	_ = 	snop  }
0x6: {  	_ = 	snop  }
0x7: {  	_ = 	snop  }
__scs_overlays_trampoline_lowered:
0x8: {  	[smem:$0x3FAA] =	sst s0  }
0x9: {  	[smem:$0x3FAB] =	sst s1  }
0xa: {  	[smem:$0x3FAC] =	sst s2  }
0xb: {  	[smem:$0x3FAD] =	sst s3  }
0xc: {  	[smem:$0x3FAE] =	sst s4  }
0xd: {  	[smem:$0x3FAF] =	sst s5  }
0xe: {  	[smem:$0x3FB0] =	sst s6  }
0xf: {  	[smem:$0x3FB1] =	sst s7  }
0x10: {  	[smem:$0x3FB2] =	sst s8  }
0x11: {  	[smem:$0x3FB3] =	sst s9;
	s0 =	simm.s32 @!p0 $0x0  }
0x12: {  	s1 =	sld [smem:$0x3F99];
	s0 =	simm.s32 @p0 $0x1  }
0x13: {  	[smem:$0x3FB4] =	sst s0;
	s0 =	simm.s32 @!p1 $0x0  }
0x14: {  	s2 =	sld [smem:$0x3F98];
	s0 =	simm.s32 @p1 $0x1  }
0x15: {  	[smem:$0x3FB5] =	sst s0;
	s0 =	simm.s32 @!p2 $0x0  }
0x16: {  	s3 =	sld [smem:$0x3FDB];
	s0 =	simm.s32 @p2 $0x1  }
0x17: {  	s4 =	simm.s32 $0x1BF5;
	[smem:$0x3FB7] =	sst s0  }
0x18: {  	s0 =	sld [smem:$0x3F9A];
	_ =	swait.ge [sflag:s4], $0x0  }
0x19: {  	s7 =	sld [smem:$0x3F9B]  }
0x1a: {  	s8 =	sadd.s32 $0xFFFFE003, lr  }
0x1b: {  	s9 =	sadd.s32 $0xFFFFFEF7, lr;
	s5 =	simm.s32 $0xFFFFFFFF;
	p2 =	slt.u32 s8, $0xFFFFF086  }
0x1c: {  	p1 =	slt.u32 s9, $0xF7A;
	s5 =	simm.s32 @!p2 $0x0  }
0x1d: {  	s5 =	simm.s32 @p1 $0x1;
	p0 =	seq.s32 s7, s2  }
0x1e: {  	s7 =	smul.u32 @!p0 $0xF7A, s2;
	p2 =	seq.s32 @!p0 s5, $0x0  }
0x1f: {  	s9 =	smul.u32 $0xF7A, s1;
	s8 =	simm.s32 @!p0 $0x1BF5;
	p2 =	por !p2, p0  }
0x20: {  	[sflag:s8] =	ssyncset.s32 @!p0 $0xFFFFF086;
	s6 =	sadd.s32 @!p0 s3, s7;
	s7 =	simm.s32 @!p0 $0x108  }
0x21: {  	s3 =	sadd.s32 s3, s9;
	s6 =	sadd.s32 @!p0 $0x88, s6;
	s7 =	simm.s32 @p2 $0x1082  }
0x22: {  	[simem:s7], [sflag:s8] =	dma.local @!p0 [hbm:s6], $0xF7A  }
0x23: {  	s9 =	sor.u32 $0xD0000000, s2;
	s6 =	simm.s32 $0x108;
	_ =	swait.ge @!p0 [sflag:s8], $0x0  }
0x24: {  	s3 =	sadd.s32 $0x88, s3;
	s6 =	simm.s32 @!p1 $0x1082;
	[sflag:s4] =	ssyncset.s32 $0xFFFFF086  }
0x25: {  	[simem:s6], [sflag:s4] =	dma.local [hbm:s3], $0xF7A  }
0x26: {  	[smem:$0x3F9B] =	sst s1;
	(tag) =	ssettag s2;
	_ =	strace s9  }
0x27: {  	s1 =	sld [smem:$0x3FAB]  }
0x28: {  	s2 =	sld [smem:$0x3FAC]  }
0x29: {  	s4 =	sld [smem:$0x3FAE]  }
0x2a: {  	p0 =	seq.s32 s5, $0x0;
	s5 =	sld [smem:$0x3FAF]  }
0x2b: {  	s6 =	sld [smem:$0x3FB0]  }
0x2c: {  	s7 =	sld [smem:$0x3FB1]  }
0x2d: {  	s3 =	simm.s32 $0x108;
	s8 =	sld [smem:$0x3FB2]  }
0x2e: {  	s3 =	simm.s32 @!p0 $0x1082;
	s9 =	sld [smem:$0x3FB3]  }
0x2f: {  	lr =	sadd.s32 s0, s3;
	s0 =	sld [smem:$0x3FAA]  }
0x30: {  	s3 =	sld [smem:$0x3FAD]  }
0x31: {  	[smem:$0x3FB6] =	sst s10  }
0x32: {  	s10 =	sld [smem:$0x3FB4];
	_ =	sdelay $0x3  }
0x33: {  	p0 =	seq.s32 s10, $0x1;
	s10 =	sld [smem:$0x3FB6];
	_ =	sdelay $0x3  }
0x34: {  	[smem:$0x3FB6] =	sst s10  }
0x35: {  	s10 =	sld [smem:$0x3FB5];
	_ =	sdelay $0x3  }
0x36: {  	p1 =	seq.s32 s10, $0x1;
	s10 =	sld [smem:$0x3FB6];
	_ =	sdelay $0x3  }
0x37: {  	[smem:$0x3FB6] =	sst s10  }
0x38: {  	s10 =	sld [smem:$0x3FB7]  }
0x39: {  	_ = 	snop;
	(pc) =	sbr.ind lr, $3  }
0x3a: {  	_ = 	snop  }
0x3b: {  	_ = 	snop  }
0x3c: {  	p2 =	seq.s32 s10, $0x1;
	s10 =	sld [smem:$0x3FB6]  }
0x3d: {  	_ =	shalt  }
0x3e: {  	_ =	shalt  }
0x3f: {  	_ =	shalt  }
0x40: {  	_ =	shalt  }
0x41: {  	_ =	shalt  }
0x42: {  	_ =	shalt  }
0x43: {  	_ =	shalt  }
0x44: {  	_ =	shalt  }
0x45: {  	_ =	shalt  }
0x46: {  	_ =	shalt  }
0x47: {  	_ =	shalt  }
0x48: {  	_ =	shalt  }
0x49: {  	_ =	shalt  }
0x4a: {  	_ =	shalt  }
0x4b: {  	_ =	shalt  }
0x4c: {  	_ =	shalt  }
0x4d: {  	_ =	shalt  }
0x4e: {  	_ =	shalt  }
0x4f: {  	_ =	shalt  }
0x50: {  	_ =	shalt  }
0x51: {  	_ =	shalt  }
0x52: {  	_ =	shalt  }
0x53: {  	_ =	shalt  }
0x54: {  	_ =	shalt  }
0x55: {  	_ =	shalt  }
0x56: {  	_ =	shalt  }
0x57: {  	_ =	shalt  }
0x58: {  	_ =	shalt  }
0x59: {  	_ =	shalt  }
0x5a: {  	_ =	shalt  }
0x5b: {  	_ =	shalt  }
0x5c: {  	_ =	shalt  }
0x5d: {  	_ =	shalt  }
0x5e: {  	_ =	shalt  }
0x5f: {  	_ =	shalt  }
0x60: {  	_ =	shalt  }
0x61: {  	_ =	shalt  }
0x62: {  	_ =	shalt  }
0x63: {  	_ =	shalt  }
0x64: {  	_ =	shalt  }
0x65: {  	_ =	shalt  }
0x66: {  	_ =	shalt  }
0x67: {  	_ =	shalt  }
0x68: {  	_ =	shalt  }
0x69: {  	_ =	shalt  }
0x6a: {  	_ =	shalt  }
0x6b: {  	_ =	shalt  }
0x6c: {  	_ =	shalt  }
0x6d: {  	_ =	shalt  }
0x6e: {  	_ =	shalt  }
0x6f: {  	_ =	shalt  }
0x70: {  	_ =	shalt  }
0x71: {  	_ =	shalt  }
0x72: {  	_ =	shalt  }
0x73: {  	_ =	shalt  }
0x74: {  	_ =	shalt  }
0x75: {  	_ =	shalt  }
0x76: {  	_ =	shalt  }
0x77: {  	_ =	shalt  }
0x78: {  	_ =	shalt  }
0x79: {  	_ =	shalt  }
0x7a: {  	_ =	shalt  }
0x7b: {  	_ =	shalt  }
0x7c: {  	_ =	shalt  }
0x7d: {  	_ =	shalt  }
0x7e: {  	_ =	shalt  }
0x7f: {  	_ =	shalt  }
0x80: {  	_ =	shalt  }
0x81: {  	_ =	shalt  }
0x82: {  	_ =	shalt  }
0x83: {  	_ =	shalt  }
0x84: {  	_ =	shalt  }
0x85: {  	_ =	shalt  }
0x86: {  	_ =	shalt  }
0x87: {  	_ =	shalt  }
.Lfunc_end0:
.L_simem_size_0:
called_computation_lowered:
.L_overlay_start_0:
0x88: {  	s2 =	sld [smem:$0x3FD9]  }
0x89: {  	s3 =	sld [smem:$0x3FFE];
	_ =	sdelay $0x1  }
0x8a: {  	s1 =	srdreg.scid  }
0x8b: {  	s0 =	sand.u32 $0x1, s1  }
0x8c: {  	s17 =	sshll.u32 s0, $0xA;
	s2 =	sadd.s32 s3, s2  }
0x8d: {  	s2 =	sadd.s32 s2, s17  }
0x8e: {  	[smem:$0x3FC2] =	sst s2  }
0x8f: {  	_ = 	snop  }
0x90: {  	s2 =	sld [smem:$0x3FD0];
	(tm) =	ssettm $0x1  }
0x91: {  	s18 =	sld [smem:$0x3FFB];
	_ =	sdelay $0x3  }
0x92: {  	_ =	strace s18  }
0x93: {  	s3 =	sld [smem:$0x3FFC];
	_ =	sdelay $0x3  }
0x94: {  	_ =	strace s3  }
0x95: {  	s3 =	sld [smem:$0x3FFD];
	_ =	sdelay $0x3  }
0x96: {  	_ =	strace s3  }
0x97: {  	_ =	strace $0x8FFFFFFF  }
0x98: {  	s19 =	sld [smem:$0x3FDB];
	_ =	sdelay $0x1  }
0x99: {  	s4 =	simm.s32 $_scs_section_size  }
0x9a: {  	s5 =	simm.s32 $_size__tile_overlayer_lowered;
	s6 =	simm.s32 $_tile_overlayer_lowered  }
0x9b: {  	s22 =	simm.s32 $0x1BFF;
	s21 =	sshll.u32 s6, $0x1;
	s3 =	sadd.s32 s4, s19  }
0x9c: {  	s7 =	simm.s32 $0x0;
	s20 =	sshll.u32 s5, $0x1;
	s5 =	sadd.s32 s21, s3  }
0x9d: {  	[timem:s7], [sflag:s22] =	dma.local [hbm:s5], s20  }
0x9e: {  	_ =	swait.ge [sflag:s22], s20  }
0x9f: {  	s4 =	ssub.s32 $0x0, s20;
	[sflag:s22] =	ssyncset.done $0x0  }
0xa0: {  	[sflag:s22] =	ssyncadd.s32 s4;
	_ =	sdelay $0x1  }
0xa1: {  	s23 =	simm.s32 $0x1B8B  }
0xa2: {  	_ =	swait.ge [sflag:s23], $0x1  }
0xa3: {  	[sflag:s23] =	ssyncset.done $0x0  }
0xa4: {  	s25 =	simm.s32 $0x1B8E;
	s24 =	sld [smem:$0x3FFE];
	[sflag:s23] =	ssyncadd.s32 $0xFFFFFFFF  }
0xa5: {  	s26 =	simm.s32 $execute0_lowered;
	[smem:$0x3FD2] =	sst s25  }
0xa6: {  	s5 =	sshll.u32 s26, $0x1;
	_ =	strace $0x80000046;
	[dreg:$0x1] =	wrdreg $0xFFFFFFFF  }
0xa7: {  	s28 =	simm.s32 $_size_execute0_lowered;
	s3 =	sadd.s32 s3, s5;
	[dreg:$0x0] =	wrdreg $0x0  }
0xa8: {  	s5 =	sshll.u32 s28, $0x1;
	[dreg:$0x2] =	wrdreg s3  }
0xa9: {  	[dreg:$0x3] =	wrdreg s5  }
0xaa: {  	[dreg:$0x4] =	wrdreg $0xC0  }
0xab: {  	_ =	task [dreg:s7], $0x5FFFF  }
0xac: {  	[dreg:$0x1] =	wrdreg $0xFFFFFFFF  }
0xad: {  	[dreg:$0x0] =	wrdreg $0x60  }
0xae: {  	[dreg:$0x2] =	wrdreg s24  }
0xaf: {  	[dreg:$0x3] =	wrdreg s2  }
0xb0: {  	[dreg:$0x4] =	wrdreg $0x9  }
0xb1: {  	_ =	task.clear_ibuf [dreg:s7], $0x5FFFF;
	_ =	strace $0x90000046  }
0xb2: {  	s29 =	simm.s32 $0x9;
	_ =	strace $0x80000048  }
0xb3: {  	_ =	swait.ge [sflag:s29], $0x1  }
0xb4: {  	[sflag:s29] =	ssyncadd.s32 $0xFFFFFFFF  }
0xb5: {  	_ =	strace $0x90000048  }
0xb6: {  	_ =	sfence  }
0xb7: {  	s30 =	sld [smem:$0x0];
	_ =	sdelay $0x2  }
0xb8: {  	s31 =	sshll.u32 s1, $0xD;
	s1 =	sshrl.u32 s1, $0x2  }
0xb9: {  	s3 =	sand.u32 $0x4000, s31;
	s1 =	sadd.s32 s1, s30  }
0xba: {  	s0 =	sor.u32 s3, s0;
	s1 =	sshll.u32 s1, $0x11  }
0xbb: {  	s0 =	sor.u32 s1, s0  }
0xbc: {  	s0 =	sadd.s32 $0x8F2B, s0  }
0xbd: {  	[sflag:s0] =	ssyncadd.remote.s32 $0x1  }
0xbe: {  	_ =	sfence.sel $0xFFFF  }
0xbf: {  	[dreg:$0x0] =	wrdreg $0xFFFFFFFF;
	(pc) =	sbr.abs _section_cstart, $3  }
0xc0: {  	[dreg:$0x1] =	wrdreg $0xFFFFFFFF  }
0xc1: {  	_ =	task.clear_ibuf [dreg:s7], $0x2FFFF;
	_ =	strace $0x9FFFFFFF  }
0xc2: {  	(tm) =	ssettm $0x7FFFFFFF  }
0xc3: {  	_ =	shalt  }
tec
execute0_lowered:
.L_overlay_start_1:
0x0: {  	(tag) =	ssettag $0x1  }
0x1: {  	s1 =	srdreg.scid  }
0x2: {  	s0 =	stileid.u32;
	s24 =	sand.u32 $0x1, s1  }
0x3: {  	s5 =	rddreg [dreg:$0x0];
	s31 =	sshll.u32 s0, $0xB;
	s2 =	sshll.u32 s24, $0xA  }
0x4: {  	s10 =	rddreg [dreg:$0x1];
	s11 =	sor.u32 s2, s31  }
0x5: {  	s1 =	rddreg [dreg:$0x2];
	s2 =	simm.s32 $0x0;
	s3 =	sshrl.u32 s11, $0x3  }
0x6: {  	[smem:$0x7FF] =	sst s2;
	s3 =	sadd.s32 s3, s5  }
0x7: {  	_ =	strace $0x80000047;
	s4 =	sadd.s32 $0x4E00, s3;
	s3 =	simm.s32 $0x3  }
0x8: {  	[tilespmem:s2], [sflag:$0x3] =	stream.linear.gather [hbm4b:s4+s2], $0x400, $0x38;
	[tilespmem:$0x8400] =	vst v63  }
0x9: {  	_ =	swait.ge [sflag:s3], $0x400  }
0xa: {  	s6 =	simm.s32 $0x80;
	[sflag:s3] =	ssyncset.done $0x0  }
0xb: {  	s7 =	simm.s32 $0x400;
	s5 =	sadd.s32 $0xE00, s5;
	[sflag:s3] =	ssyncadd.s32 $0xFFFFFC00  }
0xc: {  	[tilespmem:s7], [sflag:$0x1] =	stream.indirect.gather [hbm4b:s5+s6], $0x80, s2, s6, $0xb8;
	[tilespmem:$0x8400] =	vst v63  }
0xd: {  	s8 =	simm.s32 $0x4400;
	s9 =	simm.s32 $0x1  }
0xe: {  	[tilespmem:s8], [sflag:$0x2] =	stream.indirect.gather [hbm4b:s5+s6], $0x80, s6, s6, $0xb8;
	[tilespmem:$0x8400] =	vst v63  }
0xf: {  	_ =	swait.ge [sflag:s9], $0x4000  }
0x10: {  	s11 =	sshll.u32 s11, $0x4;
	[sflag:s9] =	ssyncset.done $0x0  }
0x11: {  	s10 =	sadd.s32 s10, s11;
	[sflag:s9] =	ssyncadd.s32 $0xFFFFC000  }
0x12: {  	[hbm4b:s10+s2] =	stream.linear.scatter [tilespmem:s7], [sflag:$0x3], $0x4000, $0x38;
	[tilespmem:$0x8400] =	vst v63  }
0x13: {  	_ =	swait.ge [sflag:s3], $0x4000  }
0x14: {  	[sflag:s3] =	ssyncset.done $0x0  }
0x15: {  	s12 =	simm.s32 $0x2;
	s11 =	simm.s32 $0x100;
	[sflag:s3] =	ssyncadd.s32 $0xFFFFC000  }
0x16: {  	[tilespmem:s7], [sflag:$0x1] =	stream.indirect.gather [hbm4b:s5+s6], $0x80, s11, s6, $0xb8;
	[tilespmem:$0x8400] =	vst v63  }
0x17: {  	_ =	swait.ge [sflag:s12], $0x4000  }
0x18: {  	[sflag:s12] =	ssyncset.done $0x0  }
0x19: {  	s13 =	sadd.s32 $0x800, s10;
	[sflag:s12] =	ssyncadd.s32 $0xFFFFC000  }
0x1a: {  	[hbm4b:s13+s2] =	stream.linear.scatter [tilespmem:s8], [sflag:$0x3], $0x4000, $0x38;
	[tilespmem:$0x8400] =	vst v63  }
0x1b: {  	_ =	swait.ge [sflag:s3], $0x4000  }
0x1c: {  	[sflag:s3] =	ssyncset.done $0x0  }
0x1d: {  	s14 =	simm.s32 $0x180;
	[sflag:s3] =	ssyncadd.s32 $0xFFFFC000  }
0x1e: {  	[tilespmem:s8], [sflag:$0x2] =	stream.indirect.gather [hbm4b:s5+s6], $0x80, s14, s6, $0xb8;
	[tilespmem:$0x8400] =	vst v63  }
0x1f: {  	_ =	swait.ge [sflag:s9], $0x4000  }
0x20: {  	[sflag:s9] =	ssyncset.done $0x0  }
0x21: {  	s15 =	sadd.s32 $0x1000, s10;
	[sflag:s9] =	ssyncadd.s32 $0xFFFFC000  }
0x22: {  	[hbm4b:s15+s2] =	stream.linear.scatter [tilespmem:s7], [sflag:$0x3], $0x4000, $0x38;
	[tilespmem:$0x8400] =	vst v63  }
0x23: {  	_ =	swait.ge [sflag:s3], $0x4000  }
0x24: {  	[sflag:s3] =	ssyncset.done $0x0  }
0x25: {  	s16 =	simm.s32 $0x200;
	[sflag:s3] =	ssyncadd.s32 $0xFFFFC000  }
0x26: {  	[tilespmem:s7], [sflag:$0x1] =	stream.indirect.gather [hbm4b:s5+s6], $0x80, s16, s6, $0xb8;
	[tilespmem:$0x8400] =	vst v63  }
0x27: {  	_ =	swait.ge [sflag:s12], $0x4000  }
0x28: {  	[sflag:s12] =	ssyncset.done $0x0  }
0x29: {  	s17 =	sadd.s32 $0x1800, s10;
	[sflag:s12] =	ssyncadd.s32 $0xFFFFC000  }
0x2a: {  	[hbm4b:s17+s2] =	stream.linear.scatter [tilespmem:s8], [sflag:$0x3], $0x4000, $0x38;
	[tilespmem:$0x8400] =	vst v63  }
0x2b: {  	_ =	swait.ge [sflag:s3], $0x4000  }
0x2c: {  	[sflag:s3] =	ssyncset.done $0x0  }
0x2d: {  	s18 =	simm.s32 $0x280;
	[sflag:s3] =	ssyncadd.s32 $0xFFFFC000  }
0x2e: {  	[tilespmem:s8], [sflag:$0x2] =	stream.indirect.gather [hbm4b:s5+s6], $0x80, s18, s6, $0xb8;
	[tilespmem:$0x8400] =	vst v63  }
0x2f: {  	_ =	swait.ge [sflag:s9], $0x4000  }
0x30: {  	[sflag:s9] =	ssyncset.done $0x0  }
0x31: {  	s19 =	sadd.s32 $0x2000, s10;
	[sflag:s9] =	ssyncadd.s32 $0xFFFFC000  }
0x32: {  	[hbm4b:s19+s2] =	stream.linear.scatter [tilespmem:s7], [sflag:$0x3], $0x4000, $0x38;
	[tilespmem:$0x8400] =	vst v63  }
0x33: {  	_ =	swait.ge [sflag:s3], $0x4000  }
0x34: {  	[sflag:s3] =	ssyncset.done $0x0  }
0x35: {  	s20 =	simm.s32 $0x300;
	[sflag:s3] =	ssyncadd.s32 $0xFFFFC000  }
0x36: {  	[tilespmem:s7], [sflag:$0x1] =	stream.indirect.gather [hbm4b:s5+s6], $0x80, s20, s6, $0xb8;
	[tilespmem:$0x8400] =	vst v63  }
0x37: {  	_ =	swait.ge [sflag:s12], $0x4000  }
0x38: {  	[sflag:s12] =	ssyncset.done $0x0  }
0x39: {  	s21 =	sadd.s32 $0x2800, s10;
	[sflag:s12] =	ssyncadd.s32 $0xFFFFC000  }
0x3a: {  	[hbm4b:s21+s2] =	stream.linear.scatter [tilespmem:s8], [sflag:$0x3], $0x4000, $0x38;
	[tilespmem:$0x8400] =	vst v63  }
0x3b: {  	_ =	swait.ge [sflag:s3], $0x4000  }
0x3c: {  	[sflag:s3] =	ssyncset.done $0x0  }
0x3d: {  	s22 =	simm.s32 $0x380;
	[sflag:s3] =	ssyncadd.s32 $0xFFFFC000  }
0x3e: {  	[tilespmem:s8], [sflag:$0x2] =	stream.indirect.gather [hbm4b:s5+s6], $0x80, s22, s6, $0xb8;
	[tilespmem:$0x8400] =	vst v63  }
0x3f: {  	_ =	swait.ge [sflag:s9], $0x4000  }
0x40: {  	[sflag:s9] =	ssyncset.done $0x0  }
0x41: {  	s24 =	ssub.s32 $0x2, s24;
	s23 =	sadd.s32 $0x3000, s10;
	[sflag:s9] =	ssyncadd.s32 $0xFFFFC000  }
0x42: {  	[hbm4b:s23+s2] =	stream.linear.scatter [tilespmem:s7], [sflag:$0x3], $0x4000, $0x38;
	[tilespmem:$0x8400] =	vst v63  }
0x43: {  	s25 =	sshrl.u32 s24, $0x1;
	_ =	swait.ge [sflag:s3], $0x4000  }
0x44: {  	s25 =	ssub.s32 s24, s25;
	[sflag:s3] =	ssyncset.done $0x0  }
0x45: {  	s25 =	smax.u32 s25, $0x1;
	[sflag:s3] =	ssyncadd.s32 $0xFFFFC000  }
0x46: {  	p0 =	sne.s32 s25, $0x1;
	_ =	swait.ge [sflag:s12], $0x4000  }
.Ltmp0:
0x47: {  	[sflag:s12] =	ssyncset.done $0x0;
	(pc) =	sbr.rel @!p0 .LBB2_2-.Ltmp0, $4  }
0x48: {  	s24 =	sadd.s32 $0x3800, s10;
	[sflag:s12] =	ssyncadd.s32 $0xFFFFC000  }
0x49: {  	[hbm4b:s24+s2] =	stream.linear.scatter [tilespmem:s8], [sflag:$0x3], $0x4000, $0x38;
	[tilespmem:$0x8400] =	vst v63  }
0x4a: {  	_ =	swait.ge [sflag:s3], $0x4000  }
0x4b: {  	s25 =	sadd.s32 $0xFFFFFFFF, s25;
	[sflag:s3] =	ssyncset.done $0x0  }
.LBB2_1:
0x4c: {  	p0 =	sne.s32 s25, $0x1;
	s25 =	sadd.s32 $0xFFFFFFFF, s25;
	[sflag:s3] =	ssyncadd.s32 $0xFFFFC000  }
0x4d: {  	[tilespmem:s2], [sflag:$0x3] =	stream.linear.gather [hbm4b:s4+s2], $0x400, $0x38;
	[tilespmem:$0x8400] =	vst v63  }
0x4e: {  	_ =	swait.ge [sflag:s3], $0x400  }
0x4f: {  	[sflag:s3] =	ssyncset.done $0x0  }
0x50: {  	[sflag:s3] =	ssyncadd.s32 $0xFFFFFC00  }
0x51: {  	[tilespmem:s7], [sflag:$0x1] =	stream.indirect.gather [hbm4b:s5+s6], $0x80, s2, s6, $0xb8;
	[tilespmem:$0x8400] =	vst v63  }
0x52: {  	_ = 	snop  }
0x53: {  	[tilespmem:s8], [sflag:$0x2] =	stream.indirect.gather [hbm4b:s5+s6], $0x80, s6, s6, $0xb8;
	[tilespmem:$0x8400] =	vst v63  }
0x54: {  	_ =	swait.ge [sflag:s9], $0x4000  }
0x55: {  	[sflag:s9] =	ssyncset.done $0x0  }
0x56: {  	[sflag:s9] =	ssyncadd.s32 $0xFFFFC000  }
0x57: {  	[hbm4b:s10+s2] =	stream.linear.scatter [tilespmem:s7], [sflag:$0x3], $0x4000, $0x38;
	[tilespmem:$0x8400] =	vst v63  }
0x58: {  	_ =	swait.ge [sflag:s3], $0x4000  }
0x59: {  	[sflag:s3] =	ssyncset.done $0x0  }
0x5a: {  	[sflag:s3] =	ssyncadd.s32 $0xFFFFC000  }
0x5b: {  	[tilespmem:s7], [sflag:$0x1] =	stream.indirect.gather [hbm4b:s5+s6], $0x80, s11, s6, $0xb8;
	[tilespmem:$0x8400] =	vst v63  }
0x5c: {  	_ =	swait.ge [sflag:s12], $0x4000  }
0x5d: {  	[sflag:s12] =	ssyncset.done $0x0  }
0x5e: {  	[sflag:s12] =	ssyncadd.s32 $0xFFFFC000  }
0x5f: {  	[hbm4b:s13+s2] =	stream.linear.scatter [tilespmem:s8], [sflag:$0x3], $0x4000, $0x38;
	[tilespmem:$0x8400] =	vst v63  }
0x60: {  	_ =	swait.ge [sflag:s3], $0x4000  }
0x61: {  	[sflag:s3] =	ssyncset.done $0x0  }
0x62: {  	[sflag:s3] =	ssyncadd.s32 $0xFFFFC000  }
0x63: {  	[tilespmem:s8], [sflag:$0x2] =	stream.indirect.gather [hbm4b:s5+s6], $0x80, s14, s6, $0xb8;
	[tilespmem:$0x8400] =	vst v63  }
0x64: {  	_ =	swait.ge [sflag:s9], $0x4000  }
0x65: {  	[sflag:s9] =	ssyncset.done $0x0  }
0x66: {  	[sflag:s9] =	ssyncadd.s32 $0xFFFFC000  }
0x67: {  	[hbm4b:s15+s2] =	stream.linear.scatter [tilespmem:s7], [sflag:$0x3], $0x4000, $0x38;
	[tilespmem:$0x8400] =	vst v63  }
0x68: {  	_ =	swait.ge [sflag:s3], $0x4000  }
0x69: {  	[sflag:s3] =	ssyncset.done $0x0  }
0x6a: {  	[sflag:s3] =	ssyncadd.s32 $0xFFFFC000  }
0x6b: {  	[tilespmem:s7], [sflag:$0x1] =	stream.indirect.gather [hbm4b:s5+s6], $0x80, s16, s6, $0xb8;
	[tilespmem:$0x8400] =	vst v63  }
0x6c: {  	_ =	swait.ge [sflag:s12], $0x4000  }
0x6d: {  	[sflag:s12] =	ssyncset.done $0x0  }
0x6e: {  	[sflag:s12] =	ssyncadd.s32 $0xFFFFC000  }
0x6f: {  	[hbm4b:s17+s2] =	stream.linear.scatter [tilespmem:s8], [sflag:$0x3], $0x4000, $0x38;
	[tilespmem:$0x8400] =	vst v63  }
0x70: {  	_ =	swait.ge [sflag:s3], $0x4000  }
0x71: {  	[sflag:s3] =	ssyncset.done $0x0  }
0x72: {  	[sflag:s3] =	ssyncadd.s32 $0xFFFFC000  }
0x73: {  	[tilespmem:s8], [sflag:$0x2] =	stream.indirect.gather [hbm4b:s5+s6], $0x80, s18, s6, $0xb8;
	[tilespmem:$0x8400] =	vst v63  }
0x74: {  	_ =	swait.ge [sflag:s9], $0x4000  }
0x75: {  	[sflag:s9] =	ssyncset.done $0x0  }
0x76: {  	[sflag:s9] =	ssyncadd.s32 $0xFFFFC000  }
0x77: {  	[hbm4b:s19+s2] =	stream.linear.scatter [tilespmem:s7], [sflag:$0x3], $0x4000, $0x38;
	[tilespmem:$0x8400] =	vst v63  }
0x78: {  	_ =	swait.ge [sflag:s3], $0x4000  }
0x79: {  	[sflag:s3] =	ssyncset.done $0x0  }
0x7a: {  	[sflag:s3] =	ssyncadd.s32 $0xFFFFC000  }
0x7b: {  	[tilespmem:s7], [sflag:$0x1] =	stream.indirect.gather [hbm4b:s5+s6], $0x80, s20, s6, $0xb8;
	[tilespmem:$0x8400] =	vst v63  }
0x7c: {  	_ =	swait.ge [sflag:s12], $0x4000  }
0x7d: {  	[sflag:s12] =	ssyncset.done $0x0  }
0x7e: {  	[sflag:s12] =	ssyncadd.s32 $0xFFFFC000  }
0x7f: {  	[hbm4b:s21+s2] =	stream.linear.scatter [tilespmem:s8], [sflag:$0x3], $0x4000, $0x38;
	[tilespmem:$0x8400] =	vst v63  }
0x80: {  	_ =	swait.ge [sflag:s3], $0x4000  }
0x81: {  	[sflag:s3] =	ssyncset.done $0x0  }
0x82: {  	[sflag:s3] =	ssyncadd.s32 $0xFFFFC000  }
0x83: {  	[tilespmem:s8], [sflag:$0x2] =	stream.indirect.gather [hbm4b:s5+s6], $0x80, s22, s6, $0xb8;
	[tilespmem:$0x8400] =	vst v63  }
0x84: {  	_ =	swait.ge [sflag:s9], $0x4000  }
0x85: {  	[sflag:s9] =	ssyncset.done $0x0  }
0x86: {  	[sflag:s9] =	ssyncadd.s32 $0xFFFFC000  }
0x87: {  	[hbm4b:s23+s2] =	stream.linear.scatter [tilespmem:s7], [sflag:$0x3], $0x4000, $0x38;
	[tilespmem:$0x8400] =	vst v63  }
0x88: {  	_ =	swait.ge [sflag:s3], $0x4000  }
0x89: {  	[sflag:s3] =	ssyncset.done $0x0  }
0x8a: {  	[sflag:s3] =	ssyncadd.s32 $0xFFFFC000  }
0x8b: {  	_ =	swait.ge [sflag:s12], $0x4000  }
.Ltmp1:
0x8c: {  	[sflag:s12] =	ssyncset.done $0x0;
	(pc) =	sbr.rel @p0 .LBB2_1-.Ltmp1, $4  }
0x8d: {  	[sflag:s12] =	ssyncadd.s32 $0xFFFFC000  }
0x8e: {  	[hbm4b:s24+s2] =	stream.linear.scatter [tilespmem:s8], [sflag:$0x3], $0x4000, $0x38;
	[tilespmem:$0x8400] =	vst v63  }
0x8f: {  	_ =	swait.ge [sflag:s3], $0x4000  }
0x90: {  	[sflag:s3] =	ssyncset.done $0x0  }
.LBB2_2:
0x91: {  	[sflag:s3] =	ssyncadd.s32 $0xFFFFC000  }
0x92: {  	_ =	sfence.sel $0x180000  }
0x93: {  	[bflag:$0x0] =	sbarrier.arrive $0xFFFF  }
0x94: {  	p0 =	sne.s32 s0, $0x0;
	_ =	strace $0x90000047  }
0x95: {  	s0 =	sadd.s32 @!p0 $0x100000, s1;
	[bflag:$0x2] =	sbarrier.arrive $0xFFFF  }
0x96: {  	[sflag:s0] =	ssyncadd.tile.s32 @!p0 $0x1;
	_ =	shalt  }
.Lfunc_end2:
_tile_overlayer_lowered:
.L_overlay_start_2:
0x97: {  	(tag) =	ssettag $0x2  }
0x98: {  	s0 =	rddreg [dreg:$0x0];
	s2 =	stileid.u32  }
0x99: {  	s1 =	rddreg [dreg:$0x1];
	p0 =	sne.s32 s2, $0x0  }
0x9a: {  	s3 =	rddreg [dreg:$0x2];
	[bflag:$0x3] =	sbarrier.arrive $0xFFFF;
	s2 =	simm.s32 @!p0 $0x1C03  }
0x9b: {  	[timem:s3], [sflag:s2] =	dma.local @!p0 [hbm:s0], s1  }
0x9c: {  	s0 =	simm.s32 @!p0 $0x3  }
0x9d: {  	_ =	swait.ge @!p0 [sflag:s0], s1  }
0x9e: {  	s1 =	ssub.s32 @!p0 $0x0, s1;
	[sflag:s0] =	ssyncset.done @!p0 $0x0  }
0x9f: {  	[sflag:s0] =	ssyncadd.s32 @!p0 s1  }
0xa0: {  	[bflag:$0x3] =	sbarrier.arrive $0xFFFF  }
0xa1: {  	_ =	shalt  }

</sc_bundles>
